<compile_context>
chip_gen: v7x
topology: tpu7x:2x2x1
jax: 0.10.2.dev20260603
libtpu: 0.0.44.dev20260713+nightly
codegen_flags: <defaults>
</compile_context>

<pallas_src>
import functools

import jax
import jax.numpy as jnp
from jax import lax
from jax.experimental import pallas as pl
from jax.experimental.pallas import tpu as pltpu
from jax.experimental.pallas import tpu_sc as plsc

N_NODES = 100000
D_FEAT = 512
N_SEG = 1024

BLK = 3072
GRID = 33

NW = 16
CHUNK = 6256
LAST_CHUNK = N_NODES - (NW - 1) * CHUNK
NVEC = CHUNK // 16
LAST_NVEC = LAST_CHUNK // 16
SEG_PER_W = 128


def _mlp_body(nf0_ref, nf1_ref, co_ref, w1a0_ref, w1a1_ref, w1b_ref, b1_ref,
              w2t_ref, b2_ref, out_ref):
    z = jnp.dot(nf0_ref[...].astype(jnp.bfloat16), w1a0_ref[...],
                preferred_element_type=jnp.float32)
    z += jnp.dot(nf1_ref[...].astype(jnp.bfloat16), w1a1_ref[...],
                 preferred_element_type=jnp.float32)
    z += lax.dot_general(co_ref[...].astype(jnp.bfloat16), w1b_ref[...],
                         (((0,), (0,)), ((), ())),
                         preferred_element_type=jnp.float32)
    h = jnp.tanh(z + b1_ref[...])
    e = lax.dot_general(w2t_ref[...], h, (((1,), (1,)), ((), ())),
                        preferred_element_type=jnp.float32)
    out_ref[...] = (e + b2_ref[0, 0]).reshape(BLK)


def _site_energy(coordinate, node_feat, W1, b1, W2, b2):
    w1a = W1[:D_FEAT].astype(jnp.bfloat16)
    w1b = W1[D_FEAT:].astype(jnp.bfloat16)
    b1r = b1.reshape(1, -1)
    w2t = W2.reshape(-1, 1).T
    b2r = b2.reshape(1, 1)
    return pl.pallas_call(
        _mlp_body,
        grid=(GRID,),
        in_specs=[
            pl.BlockSpec((BLK, D_FEAT // 2), lambda i: (i, 0)),
            pl.BlockSpec((BLK, D_FEAT // 2), lambda i: (i, 1)),
            pl.BlockSpec((3, BLK), lambda i: (0, i)),
            pl.BlockSpec((D_FEAT // 2, D_FEAT), lambda i: (0, 0)),
            pl.BlockSpec((D_FEAT // 2, D_FEAT), lambda i: (1, 0)),
            pl.BlockSpec((3, D_FEAT), lambda i: (0, 0)),
            pl.BlockSpec((1, D_FEAT), lambda i: (0, 0)),
            pl.BlockSpec((1, D_FEAT), lambda i: (0, 0)),
            pl.BlockSpec((1, 1), lambda i: (0, 0)),
        ],
        out_specs=pl.BlockSpec((BLK,), lambda i: (i,)),
        out_shape=jax.ShapeDtypeStruct((N_NODES,), jnp.float32),
    )(node_feat, node_feat, coordinate.T, w1a, w1a, w1b, b1r, w2t, b2r)


def _seg_body(site_hbm, batch_hbm, out_hbm, site_v, idx_v, acc_v, red_v,
              out_stage_v, shared):
    c = lax.axis_index("c")
    s = lax.axis_index("s")
    lane = lax.iota(jnp.int32, 16)

    @pl.when(c == 0)
    def _phase1():
        base = s * CHUNK
        @pl.when(s < NW - 1)
        def _full():
            pltpu.sync_copy(site_hbm.at[pl.ds(base, CHUNK)], site_v)
            pltpu.sync_copy(batch_hbm.at[pl.ds(base, CHUNK)],
                            idx_v.at[pl.ds(16, CHUNK)])

        @pl.when(s == NW - 1)
        def _tail():
            pltpu.sync_copy(site_hbm.at[pl.ds(base, LAST_CHUNK)],
                            site_v.at[pl.ds(0, LAST_CHUNK)])
            pltpu.sync_copy(batch_hbm.at[pl.ds(base, LAST_CHUNK)],
                            idx_v.at[pl.ds(16, LAST_CHUNK)])

        zeros = jnp.zeros((16,), jnp.float32)

        def zero_body(i, carry):
            acc_v[pl.ds(i * 16, 16)] = zeros
            return carry

        lax.fori_loop(0, N_SEG // 16, zero_body, 0)

        def one_vec(v):
            e = site_v[pl.ds(v * 16, 16)]
            idx = idx_v[pl.ds(16 + v * 16, 16)]
            idx_prev = idx_v[pl.ds(15 + v * 16, 16)]
            idx_next = idx_v[pl.ds(17 + v * 16, 16)]
            is_first = (lane == 0) | (idx != idx_prev)
            is_last = (lane == 15) | (idx != idx_next)
            csum = plsc.cumsum(e)
            plsc.addupdate_scatter(acc_v, [idx], csum, mask=is_last)
            plsc.addupdate_scatter(acc_v, [idx], e - csum, mask=is_first)

        def vec_body2(v, carry):
            one_vec(2 * v)
            one_vec(2 * v + 1)
            return carry

        nvec = jnp.where(s == NW - 1, LAST_NVEC, NVEC)
        lax.fori_loop(0, nvec // 2, vec_body2, 0)
        one_vec(nvec - 1)
        pltpu.sync_copy(acc_v, shared.at[s])

    plsc.subcore_barrier()

    @pl.when((c == 0) & (s < N_SEG // SEG_PER_W))
    def _phase2():
        col = s * SEG_PER_W
        pltpu.sync_copy(shared.at[:, pl.ds(col, SEG_PER_W)], red_v)
        for j in range(SEG_PER_W // 16):
            tot = jnp.zeros((16,), jnp.float32)
            for r in range(NW):
                tot = tot + red_v[r, pl.ds(j * 16, 16)]
            out_stage_v[pl.ds(j * 16, 16)] = tot
        pltpu.sync_copy(out_stage_v, out_hbm.at[pl.ds(col, SEG_PER_W)])


@functools.cache
def _make_seg_kernel():
  return pl.kernel(
    _seg_body,
    out_type=jax.ShapeDtypeStruct((N_SEG,), jnp.float32),
    mesh=plsc.VectorSubcoreMesh(core_axis_name="c", subcore_axis_name="s"),
    compiler_params=pltpu.CompilerParams(needs_layout_passes=False),
    scratch_types=[
        pltpu.VMEM((CHUNK,), jnp.float32),
        pltpu.VMEM((CHUNK + 32,), jnp.int32),
        pltpu.VMEM((N_SEG,), jnp.float32),
        pltpu.VMEM((NW, SEG_PER_W), jnp.float32),
        pltpu.VMEM((SEG_PER_W,), jnp.float32),
        pltpu.VMEM_SHARED((NW, N_SEG), jnp.float32),
    ],
  )


def kernel(coordinate, node_feat, batch, W1, b1, W2, b2):
    site = _site_energy(coordinate, node_feat, W1, b1, W2, b2)
    energy = _make_seg_kernel()(site, batch.astype(jnp.int32))
    return site, energy

# --- scband reference (transcript-rebuilt; emitter-appended) ---
"""Pipeline reference for scband-atomic-module-46660524704381 (READ-ONLY COPY).

The authoritative reference and input builder live on the scoring server;
editing this copy changes nothing except your own understanding.
"""

import jax, jax.numpy as jnp
import numpy as np

N_NODES = 100000
D_FEAT = 512
D_HID = 512
N_SEG = 1024

def setup_inputs(seed: int = 0) -> dict:
    key = jax.random.key(seed)
    k1, k2, k3, k4, k5 = jax.random.split(key, 5)
    coordinate = jax.random.normal(k1, (N_NODES, 3), dtype=jnp.float32)
    node_feat = jax.random.normal(k2, (N_NODES, D_FEAT), dtype=jnp.float32)
    batch = jnp.sort(jax.random.randint(k3, (N_NODES,), 0, N_SEG).astype(jnp.int64))
    W1 = jax.random.normal(k4, (D_FEAT + 3, D_HID), dtype=jnp.float32) / np.sqrt(D_FEAT + 3)
    b1 = jnp.zeros((D_HID,), dtype=jnp.float32)
    W2 = jax.random.normal(k5, (D_HID, 1), dtype=jnp.float32) / np.sqrt(D_HID)
    b2 = jnp.zeros((1,), dtype=jnp.float32)
    return {"coordinate": coordinate, "node_feat": node_feat, "batch": batch,
            "W1": W1, "b1": b1, "W2": W2, "b2": b2}

def _get_site_energy(coordinate, node_feat, W1, b1, W2, b2):
    # Concrete realization of the abstract get_site_energy: 2-layer MLP over
    # per-atom features concatenated with coordinates -> scalar site energy.
    h = jnp.concatenate([node_feat, coordinate], axis=-1)
    h = jnp.tanh(h @ W1 + b1)
    return (h @ W2 + b2)[:, 0]

def reference(coordinate, node_feat, batch, W1, b1, W2, b2):
    # site_energy_p
    site_energy = _get_site_energy(coordinate, node_feat, W1, b1, W2, b2)
    # energy_p = _scatter_add(site_energy, batch) -> per-molecule energy
    energy = jax.ops.segment_sum(site_energy, batch, num_segments=N_SEG)
    return site_energy, energy

if __name__ == "__main__":
    import jax
    _d = setup_inputs()
    print(jax.jit(kernel)(*tuple(_d.values())))

</pallas_src>

<mosaic_0001>
#map = affine_map<(d0, d1) -> (0)>
module attributes {stable_mosaic.version = 14 : i64} {
  func.func @_seg_body(%arg0: i32, %arg1: i32, %arg2: memref<100000xf32, #tpu.memory_space<hbm>>, %arg3: memref<100000xi32, #tpu.memory_space<hbm>>, %arg4: memref<1024xf32, #tpu.memory_space<hbm>>, %arg5: memref<6256xf32, #tpu.memory_space<vmem>>, %arg6: memref<6288xi32, #tpu.memory_space<vmem>>, %arg7: memref<1024xf32, #tpu.memory_space<vmem>>, %arg8: memref<16x128xf32, #tpu.memory_space<vmem>>, %arg9: memref<128xf32, #tpu.memory_space<vmem>>, %arg10: memref<16x1024xf32, #tpu.memory_space<vmem_shared>>) attributes {dimension_semantics = [#tpu.dimension_semantics<core_parallel>, #tpu.dimension_semantics<subcore_parallel>], iteration_bounds = array<i64: 2, 16>, scalar_prefetch = 0 : i64, scratch_operands = 6 : i64, tpu.core_type = #tpu.core_type<sc_vector_subcore>, window_params = [{transform_indices = #map}, {transform_indices = #map}, {transform_indices = #map}]} {
    %iota3A = tpu.iota {dimensions = array<i32: 0>} : vector<16xi32>
    %eq3A = arith.constant 0 : i32
    %eq3A_0 = arith.cmpi eq, %arg0, %eq3A : i32
    %convert_element_type3A = arith.extui %eq3A_0 : i1 to i32
    %cond3A = arith.constant 0 : i32
    %cond3A_1 = arith.cmpi ne, %convert_element_type3A, %cond3A : i32
    scf.if %cond3A_1 {
      %mul3A = arith.constant 6256 : i32
      %mul3A_8 = arith.muli %arg1, %mul3A : i32
      %lt3A_9 = arith.constant 15 : i32
      %lt3A_10 = arith.cmpi slt, %arg1, %lt3A_9 : i32
      %convert_element_type3A_11 = arith.extui %lt3A_10 : i1 to i32
      %cond3A_12 = arith.constant 0 : i32
      %cond3A_13 = arith.cmpi ne, %convert_element_type3A_11, %cond3A_12 : i32
      scf.if %cond3A_13 {
        "tpu.region"() ({
          %run_scoped3A = tpu.sem_alloc : memref<!tpu.dma_semaphore, #tpu.memory_space<semaphore_mem>>
          %dma_start3A = tpu.memref_slice %arg2[%mul3A_8] : memref<100000xf32, #tpu.memory_space<hbm>> -> memref<6256xf32, #tpu.memory_space<hbm>>
          %dma_start3A_90 = tpu.memref_slice %arg2[%mul3A_8] : memref<100000xf32, #tpu.memory_space<hbm>> -> memref<6256xf32, #tpu.memory_space<hbm>>
          tpu.enqueue_dma source(%dma_start3A_90 : memref<6256xf32, #tpu.memory_space<hbm>>) target(%arg5 : memref<6256xf32, #tpu.memory_space<vmem>>) target_semaphore(%run_scoped3A : memref<!tpu.dma_semaphore, #tpu.memory_space<semaphore_mem>>)
          %dma_wait3A = tpu.memref_slice %arg2[%mul3A_8] : memref<100000xf32, #tpu.memory_space<hbm>> -> memref<6256xf32, #tpu.memory_space<hbm>>
          %dma_wait3A_91 = tpu.memref_slice %arg2[%mul3A_8] : memref<100000xf32, #tpu.memory_space<hbm>> -> memref<6256xf32, #tpu.memory_space<hbm>>
          tpu.wait_dma2 semaphore(%run_scoped3A : memref<!tpu.dma_semaphore, #tpu.memory_space<semaphore_mem>>) src(%dma_wait3A_91 : memref<6256xf32, #tpu.memory_space<hbm>>) dst(%arg5 : memref<6256xf32, #tpu.memory_space<vmem>>)
          tpu.yield
        }) : () -> ()
        "tpu.region"() ({
          %run_scoped3A = tpu.sem_alloc : memref<!tpu.dma_semaphore, #tpu.memory_space<semaphore_mem>>
          %dma_start3A = arith.constant 16 : i32
          %dma_start3A_90 = tpu.memref_slice %arg6[%dma_start3A] : memref<6288xi32, #tpu.memory_space<vmem>> -> memref<6256xi32, #tpu.memory_space<vmem>>
          %dma_start3A_91 = tpu.memref_slice %arg3[%mul3A_8] : memref<100000xi32, #tpu.memory_space<hbm>> -> memref<6256xi32, #tpu.memory_space<hbm>>
          %dma_start3A_92 = arith.constant 16 : i32
          %dma_start3A_93 = tpu.memref_slice %arg6[%dma_start3A_92] : memref<6288xi32, #tpu.memory_space<vmem>> -> memref<6256xi32, #tpu.memory_space<vmem>>
          %dma_start3A_94 = tpu.memref_slice %arg3[%mul3A_8] : memref<100000xi32, #tpu.memory_space<hbm>> -> memref<6256xi32, #tpu.memory_space<hbm>>
          tpu.enqueue_dma source(%dma_start3A_94 : memref<6256xi32, #tpu.memory_space<hbm>>) target(%dma_start3A_93 : memref<6256xi32, #tpu.memory_space<vmem>>) target_semaphore(%run_scoped3A : memref<!tpu.dma_semaphore, #tpu.memory_space<semaphore_mem>>)
          %dma_wait3A = arith.constant 16 : i32
          %dma_wait3A_95 = tpu.memref_slice %arg6[%dma_wait3A] : memref<6288xi32, #tpu.memory_space<vmem>> -> memref<6256xi32, #tpu.memory_space<vmem>>
          %dma_wait3A_96 = tpu.memref_slice %arg3[%mul3A_8] : memref<100000xi32, #tpu.memory_space<hbm>> -> memref<6256xi32, #tpu.memory_space<hbm>>
          %dma_wait3A_97 = arith.constant 16 : i32
          %dma_wait3A_98 = tpu.memref_slice %arg6[%dma_wait3A_97] : memref<6288xi32, #tpu.memory_space<vmem>> -> memref<6256xi32, #tpu.memory_space<vmem>>
          %dma_wait3A_99 = tpu.memref_slice %arg3[%mul3A_8] : memref<100000xi32, #tpu.memory_space<hbm>> -> memref<6256xi32, #tpu.memory_space<hbm>>
          tpu.wait_dma2 semaphore(%run_scoped3A : memref<!tpu.dma_semaphore, #tpu.memory_space<semaphore_mem>>) src(%dma_wait3A_99 : memref<6256xi32, #tpu.memory_space<hbm>>) dst(%dma_wait3A_98 : memref<6256xi32, #tpu.memory_space<vmem>>)
          tpu.yield
        }) : () -> ()
      } else {
      }
      %eq3A_14 = arith.constant 15 : i32
      %eq3A_15 = arith.cmpi eq, %arg1, %eq3A_14 : i32
      %convert_element_type3A_16 = arith.extui %eq3A_15 : i1 to i32
      %cond3A_17 = arith.constant 0 : i32
      %cond3A_18 = arith.cmpi ne, %convert_element_type3A_16, %cond3A_17 : i32
      scf.if %cond3A_18 {
        "tpu.region"() ({
          %run_scoped3A = tpu.sem_alloc : memref<!tpu.dma_semaphore, #tpu.memory_space<semaphore_mem>>
          %dma_start3A = arith.constant 0 : i32
          %dma_start3A_90 = tpu.memref_slice %arg5[%dma_start3A] : memref<6256xf32, #tpu.memory_space<vmem>> -> memref<6160xf32, #tpu.memory_space<vmem>>
          %dma_start3A_91 = tpu.memref_slice %arg2[%mul3A_8] : memref<100000xf32, #tpu.memory_space<hbm>> -> memref<6160xf32, #tpu.memory_space<hbm>>
          %dma_start3A_92 = arith.constant 0 : i32
          %dma_start3A_93 = tpu.memref_slice %arg5[%dma_start3A_92] : memref<6256xf32, #tpu.memory_space<vmem>> -> memref<6160xf32, #tpu.memory_space<vmem>>
          %dma_start3A_94 = tpu.memref_slice %arg2[%mul3A_8] : memref<100000xf32, #tpu.memory_space<hbm>> -> memref<6160xf32, #tpu.memory_space<hbm>>
          tpu.enqueue_dma source(%dma_start3A_94 : memref<6160xf32, #tpu.memory_space<hbm>>) target(%dma_start3A_93 : memref<6160xf32, #tpu.memory_space<vmem>>) target_semaphore(%run_scoped3A : memref<!tpu.dma_semaphore, #tpu.memory_space<semaphore_mem>>)
          %dma_wait3A = arith.constant 0 : i32
          %dma_wait3A_95 = tpu.memref_slice %arg5[%dma_wait3A] : memref<6256xf32, #tpu.memory_space<vmem>> -> memref<6160xf32, #tpu.memory_space<vmem>>
          %dma_wait3A_96 = tpu.memref_slice %arg2[%mul3A_8] : memref<100000xf32, #tpu.memory_space<hbm>> -> memref<6160xf32, #tpu.memory_space<hbm>>
          %dma_wait3A_97 = arith.constant 0 : i32
          %dma_wait3A_98 = tpu.memref_slice %arg5[%dma_wait3A_97] : memref<6256xf32, #tpu.memory_space<vmem>> -> memref<6160xf32, #tpu.memory_space<vmem>>
          %dma_wait3A_99 = tpu.memref_slice %arg2[%mul3A_8] : memref<100000xf32, #tpu.memory_space<hbm>> -> memref<6160xf32, #tpu.memory_space<hbm>>
          tpu.wait_dma2 semaphore(%run_scoped3A : memref<!tpu.dma_semaphore, #tpu.memory_space<semaphore_mem>>) src(%dma_wait3A_99 : memref<6160xf32, #tpu.memory_space<hbm>>) dst(%dma_wait3A_98 : memref<6160xf32, #tpu.memory_space<vmem>>)
          tpu.yield
        }) : () -> ()
        "tpu.region"() ({
          %run_scoped3A = tpu.sem_alloc : memref<!tpu.dma_semaphore, #tpu.memory_space<semaphore_mem>>
          %dma_start3A = arith.constant 16 : i32
          %dma_start3A_90 = tpu.memref_slice %arg6[%dma_start3A] : memref<6288xi32, #tpu.memory_space<vmem>> -> memref<6160xi32, #tpu.memory_space<vmem>>
          %dma_start3A_91 = tpu.memref_slice %arg3[%mul3A_8] : memref<100000xi32, #tpu.memory_space<hbm>> -> memref<6160xi32, #tpu.memory_space<hbm>>
          %dma_start3A_92 = arith.constant 16 : i32
          %dma_start3A_93 = tpu.memref_slice %arg6[%dma_start3A_92] : memref<6288xi32, #tpu.memory_space<vmem>> -> memref<6160xi32, #tpu.memory_space<vmem>>
          %dma_start3A_94 = tpu.memref_slice %arg3[%mul3A_8] : memref<100000xi32, #tpu.memory_space<hbm>> -> memref<6160xi32, #tpu.memory_space<hbm>>
          tpu.enqueue_dma source(%dma_start3A_94 : memref<6160xi32, #tpu.memory_space<hbm>>) target(%dma_start3A_93 : memref<6160xi32, #tpu.memory_space<vmem>>) target_semaphore(%run_scoped3A : memref<!tpu.dma_semaphore, #tpu.memory_space<semaphore_mem>>)
          %dma_wait3A = arith.constant 16 : i32
          %dma_wait3A_95 = tpu.memref_slice %arg6[%dma_wait3A] : memref<6288xi32, #tpu.memory_space<vmem>> -> memref<6160xi32, #tpu.memory_space<vmem>>
          %dma_wait3A_96 = tpu.memref_slice %arg3[%mul3A_8] : memref<100000xi32, #tpu.memory_space<hbm>> -> memref<6160xi32, #tpu.memory_space<hbm>>
          %dma_wait3A_97 = arith.constant 16 : i32
          %dma_wait3A_98 = tpu.memref_slice %arg6[%dma_wait3A_97] : memref<6288xi32, #tpu.memory_space<vmem>> -> memref<6160xi32, #tpu.memory_space<vmem>>
          %dma_wait3A_99 = tpu.memref_slice %arg3[%mul3A_8] : memref<100000xi32, #tpu.memory_space<hbm>> -> memref<6160xi32, #tpu.memory_space<hbm>>
          tpu.wait_dma2 semaphore(%run_scoped3A : memref<!tpu.dma_semaphore, #tpu.memory_space<semaphore_mem>>) src(%dma_wait3A_99 : memref<6160xi32, #tpu.memory_space<hbm>>) dst(%dma_wait3A_98 : memref<6160xi32, #tpu.memory_space<vmem>>)
          tpu.yield
        }) : () -> ()
      } else {
      }
      %broadcast_in_dim3A = arith.constant 0.000000e+00 : f32
      %broadcast_in_dim3A_19 = vector.broadcast %broadcast_in_dim3A : f32 to vector<16xf32>
      %scan3A = arith.constant 0 : i32
      %scan3A_20 = arith.constant 0 : i32
      %scan3A_21 = arith.constant 64 : i32
      %scan3A_22 = arith.addi %scan3A_20, %scan3A_21 : i32
      %scan3A_23 = arith.constant 1 : i32
      scf.for %scan3A_90 = %scan3A_20 to %scan3A_22 step %scan3A_23  : i32 {
        %mul3A_91 = arith.constant 16 : i32
        %mul3A_92 = arith.muli %scan3A_90, %mul3A_91 : i32
        %swap3A = arith.index_cast %mul3A_92 : i32 to index
        %swap3A_93 = tpu.vector_load %arg7[%swap3A] {strides = array<i32>} : memref<1024xf32, #tpu.memory_space<vmem>>, vector<16xf32>,
        tpu.vector_store %arg7[%swap3A], %broadcast_in_dim3A_19 {strides = array<i32>} : memref<1024xf32, #tpu.memory_space<vmem>>, vector<16xf32>,
      }
      %scan3A_24 = arith.constant 64 : i32
      %eq3A_25 = arith.constant 15 : i32
      %eq3A_26 = arith.cmpi eq, %arg1, %eq3A_25 : i32
      %jit3A = arith.constant 385 : i32
      %jit3A_27 = arith.constant 391 : i32
      %select_n3A = arith.select %eq3A_26, %jit3A, %jit3A_27 : i32
      %jit3A_28 = arith.constant 2 : i32
      %div3A = arith.divsi %select_n3A, %jit3A_28 : i32
      %sign3A = arith.constant 0 : i32
      %sign3A_29 = arith.cmpi sgt, %select_n3A, %sign3A : i32
      %sign3A_30 = arith.extui %sign3A_29 : i1 to i32
      %sign3A_31 = arith.constant 0 : i32
      %sign3A_32 = arith.cmpi slt, %select_n3A, %sign3A_31 : i32
      %sign3A_33 = arith.extui %sign3A_32 : i1 to i32
      %sign3A_34 = arith.subi %sign3A_30, %sign3A_33 : i32
      %sign3A_35 = arith.constant 0 : i32
      %sign3A_36 = arith.cmpi sgt, %jit3A_28, %sign3A_35 : i32
      %sign3A_37 = arith.extui %sign3A_36 : i1 to i32
      %sign3A_38 = arith.constant 0 : i32
      %sign3A_39 = arith.cmpi slt, %jit3A_28, %sign3A_38 : i32
      %sign3A_40 = arith.extui %sign3A_39 : i1 to i32
      %sign3A_41 = arith.subi %sign3A_37, %sign3A_40 : i32
      %ne3A = arith.cmpi ne, %sign3A_34, %sign3A_41 : i32
      %rem3A = arith.remsi %select_n3A, %jit3A_28 : i32
      %ne3A_42 = arith.constant 0 : i32
      %ne3A_43 = arith.cmpi ne, %rem3A, %ne3A_42 : i32
      %and3A_44 = arith.andi %ne3A, %ne3A_43 : i1
      %sub3A = arith.constant 1 : i32
      %sub3A_45 = arith.subi %div3A, %sub3A : i32
      %select_n3A_46 = arith.select %and3A_44, %sub3A_45, %div3A : i32
      %while3A = arith.constant 0 : i32
      %while3A_47 = arith.constant 0 : i32
      %while3A_48 = arith.subi %select_n3A_46, %while3A_47 : i32
      %while3A_49 = arith.addi %while3A_47, %while3A_48 : i32
      %while3A_50 = arith.constant 1 : i32
      %while3A_51 = arith.divsi %while3A_48, %while3A_50 : i32
      %while3A_52 = arith.muli %while3A_51, %while3A_50 : i32
      %while3A_53 = arith.addi %while3A_47, %while3A_52 : i32
      %while3A_54 = arith.constant 1 : i32
      scf.for %while3A_90 = %while3A_47 to %while3A_53 step %while3A_54  : i32 {
        %mul3A_91 = arith.constant 2 : i32
        %mul3A_92 = arith.muli %mul3A_91, %while3A_90 : i32
        %mul3A_93 = arith.constant 16 : i32
        %mul3A_94 = arith.muli %mul3A_92, %mul3A_93 : i32
        %get3A_95 = arith.index_cast %mul3A_94 : i32 to index
        %get3A_96 = tpu.vector_load %arg5[%get3A_95] {strides = array<i32>} : memref<6256xf32, #tpu.memory_space<vmem>>, vector<16xf32>,
        %mul3A_97 = arith.constant 16 : i32
        %mul3A_98 = arith.muli %mul3A_92, %mul3A_97 : i32
        %add3A_99 = arith.constant 16 : i32
        %add3A_100 = arith.addi %add3A_99, %mul3A_98 : i32
        %get3A_101 = arith.index_cast %add3A_100 : i32 to index
        %get3A_102 = tpu.vector_load %arg6[%get3A_101] {strides = array<i32>} : memref<6288xi32, #tpu.memory_space<vmem>>, vector<16xi32>,
        %mul3A_103 = arith.constant 16 : i32
        %mul3A_104 = arith.muli %mul3A_92, %mul3A_103 : i32
        %add3A_105 = arith.constant 15 : i32
        %add3A_106 = arith.addi %add3A_105, %mul3A_104 : i32
        %get3A_107 = arith.index_cast %add3A_106 : i32 to index
        %get3A_108 = tpu.vector_load %arg6[%get3A_107] {strides = array<i32>} : memref<6288xi32, #tpu.memory_space<vmem>>, vector<16xi32>,
        %mul3A_109 = arith.constant 16 : i32
        %mul3A_110 = arith.muli %mul3A_92, %mul3A_109 : i32
        %add3A_111 = arith.constant 17 : i32
        %add3A_112 = arith.addi %add3A_111, %mul3A_110 : i32
        %get3A_113 = arith.index_cast %add3A_112 : i32 to index
        %get3A_114 = tpu.vector_load %arg6[%get3A_113] {strides = array<i32>} : memref<6288xi32, #tpu.memory_space<vmem>>, vector<16xi32>,
        %eq3A_115 = arith.constant 0 : i32
        %eq3A_116 = vector.broadcast %eq3A_115 : i32 to vector<16xi32>
        %eq3A_117 = arith.cmpi eq, %iota3A, %eq3A_116 : vector<16xi32>
        %ne3A_118 = arith.cmpi ne, %get3A_102, %get3A_108 : vector<16xi32>
        %or3A_119 = arith.ori %eq3A_117, %ne3A_118 : vector<16xi1>
        %eq3A_120 = arith.constant 15 : i32
        %eq3A_121 = vector.broadcast %eq3A_120 : i32 to vector<16xi32>
        %eq3A_122 = arith.cmpi eq, %iota3A, %eq3A_121 : vector<16xi32>
        %ne3A_123 = arith.cmpi ne, %get3A_102, %get3A_114 : vector<16xi32>
        %or3A_124 = arith.ori %eq3A_122, %ne3A_123 : vector<16xi1>
        %broadcast_in_dim3A_125 = arith.constant true
        %broadcast_in_dim3A_126 = vector.broadcast %broadcast_in_dim3A_125 : i1 to vector<16xi1>
        %masked_cumsum3A_127 = tpu.scan <sum>, %get3A_96 masked %broadcast_in_dim3A_126 : vector<16xf32>, vector<16xi1> -> vector<16xf32>
        tpu.vector_store_idx %arg7[%get3A_102], %masked_cumsum3A_127 masked %or3A_124 {add = true} : memref<1024xf32, #tpu.memory_space<vmem>>[vector<16xi32>], vector<16xf32>, vector<16xi1>
        %sub3A_128 = arith.subf %get3A_96, %masked_cumsum3A_127 : vector<16xf32>
        tpu.vector_store_idx %arg7[%get3A_102], %sub3A_128 masked %or3A_119 {add = true} : memref<1024xf32, #tpu.memory_space<vmem>>[vector<16xi32>], vector<16xf32>, vector<16xi1>
        %mul3A_129 = arith.constant 2 : i32
        %mul3A_130 = arith.muli %mul3A_129, %while3A_90 : i32
        %add3A_131 = arith.constant 1 : i32
        %add3A_132 = arith.addi %mul3A_130, %add3A_131 : i32
        %mul3A_133 = arith.constant 16 : i32
        %mul3A_134 = arith.muli %add3A_132, %mul3A_133 : i32
        %get3A_135 = arith.index_cast %mul3A_134 : i32 to index
        %get3A_136 = tpu.vector_load %arg5[%get3A_135] {strides = array<i32>} : memref<6256xf32, #tpu.memory_space<vmem>>, vector<16xf32>,
        %mul3A_137 = arith.constant 16 : i32
        %mul3A_138 = arith.muli %add3A_132, %mul3A_137 : i32
        %add3A_139 = arith.constant 16 : i32
        %add3A_140 = arith.addi %add3A_139, %mul3A_138 : i32
        %get3A_141 = arith.index_cast %add3A_140 : i32 to index
        %get3A_142 = tpu.vector_load %arg6[%get3A_141] {strides = array<i32>} : memref<6288xi32, #tpu.memory_space<vmem>>, vector<16xi32>,
        %mul3A_143 = arith.constant 16 : i32
        %mul3A_144 = arith.muli %add3A_132, %mul3A_143 : i32
        %add3A_145 = arith.constant 15 : i32
        %add3A_146 = arith.addi %add3A_145, %mul3A_144 : i32
        %get3A_147 = arith.index_cast %add3A_146 : i32 to index
        %get3A_148 = tpu.vector_load %arg6[%get3A_147] {strides = array<i32>} : memref<6288xi32, #tpu.memory_space<vmem>>, vector<16xi32>,
        %mul3A_149 = arith.constant 16 : i32
        %mul3A_150 = arith.muli %add3A_132, %mul3A_149 : i32
        %add3A_151 = arith.constant 17 : i32
        %add3A_152 = arith.addi %add3A_151, %mul3A_150 : i32
        %get3A_153 = arith.index_cast %add3A_152 : i32 to index
        %get3A_154 = tpu.vector_load %arg6[%get3A_153] {strides = array<i32>} : memref<6288xi32, #tpu.memory_space<vmem>>, vector<16xi32>,
        %eq3A_155 = arith.constant 0 : i32
        %eq3A_156 = vector.broadcast %eq3A_155 : i32 to vector<16xi32>
        %eq3A_157 = arith.cmpi eq, %iota3A, %eq3A_156 : vector<16xi32>
        %ne3A_158 = arith.cmpi ne, %get3A_142, %get3A_148 : vector<16xi32>
        %or3A_159 = arith.ori %eq3A_157, %ne3A_158 : vector<16xi1>
        %eq3A_160 = arith.constant 15 : i32
        %eq3A_161 = vector.broadcast %eq3A_160 : i32 to vector<16xi32>
        %eq3A_162 = arith.cmpi eq, %iota3A, %eq3A_161 : vector<16xi32>
        %ne3A_163 = arith.cmpi ne, %get3A_142, %get3A_154 : vector<16xi32>
        %or3A_164 = arith.ori %eq3A_162, %ne3A_163 : vector<16xi1>
        %broadcast_in_dim3A_165 = arith.constant true
        %broadcast_in_dim3A_166 = vector.broadcast %broadcast_in_dim3A_165 : i1 to vector<16xi1>
        %masked_cumsum3A_167 = tpu.scan <sum>, %get3A_136 masked %broadcast_in_dim3A_166 : vector<16xf32>, vector<16xi1> -> vector<16xf32>
        tpu.vector_store_idx %arg7[%get3A_142], %masked_cumsum3A_167 masked %or3A_164 {add = true} : memref<1024xf32, #tpu.memory_space<vmem>>[vector<16xi32>], vector<16xf32>, vector<16xi1>
        %sub3A_168 = arith.subf %get3A_136, %masked_cumsum3A_167 : vector<16xf32>
        tpu.vector_store_idx %arg7[%get3A_142], %sub3A_168 masked %or3A_159 {add = true} : memref<1024xf32, #tpu.memory_space<vmem>>[vector<16xi32>], vector<16xf32>, vector<16xi1>
      }
      %while3A_55 = arith.constant 1 : i32
      scf.for %while3A_90 = %while3A_53 to %while3A_49 step %while3A_55  : i32 {
        %mul3A_91 = arith.constant 2 : i32
        %mul3A_92 = arith.muli %mul3A_91, %while3A_90 : i32
        %mul3A_93 = arith.constant 16 : i32
        %mul3A_94 = arith.muli %mul3A_92, %mul3A_93 : i32
        %get3A_95 = arith.index_cast %mul3A_94 : i32 to index
        %get3A_96 = tpu.vector_load %arg5[%get3A_95] {strides = array<i32>} : memref<6256xf32, #tpu.memory_space<vmem>>, vector<16xf32>,
        %mul3A_97 = arith.constant 16 : i32
        %mul3A_98 = arith.muli %mul3A_92, %mul3A_97 : i32
        %add3A_99 = arith.constant 16 : i32
        %add3A_100 = arith.addi %add3A_99, %mul3A_98 : i32
        %get3A_101 = arith.index_cast %add3A_100 : i32 to index
        %get3A_102 = tpu.vector_load %arg6[%get3A_101] {strides = array<i32>} : memref<6288xi32, #tpu.memory_space<vmem>>, vector<16xi32>,
        %mul3A_103 = arith.constant 16 : i32
        %mul3A_104 = arith.muli %mul3A_92, %mul3A_103 : i32
        %add3A_105 = arith.constant 15 : i32
        %add3A_106 = arith.addi %add3A_105, %mul3A_104 : i32
        %get3A_107 = arith.index_cast %add3A_106 : i32 to index
        %get3A_108 = tpu.vector_load %arg6[%get3A_107] {strides = array<i32>} : memref<6288xi32, #tpu.memory_space<vmem>>, vector<16xi32>,
        %mul3A_109 = arith.constant 16 : i32
        %mul3A_110 = arith.muli %mul3A_92, %mul3A_109 : i32
        %add3A_111 = arith.constant 17 : i32
        %add3A_112 = arith.addi %add3A_111, %mul3A_110 : i32
        %get3A_113 = arith.index_cast %add3A_112 : i32 to index
        %get3A_114 = tpu.vector_load %arg6[%get3A_113] {strides = array<i32>} : memref<6288xi32, #tpu.memory_space<vmem>>, vector<16xi32>,
        %eq3A_115 = arith.constant 0 : i32
        %eq3A_116 = vector.broadcast %eq3A_115 : i32 to vector<16xi32>
        %eq3A_117 = arith.cmpi eq, %iota3A, %eq3A_116 : vector<16xi32>
        %ne3A_118 = arith.cmpi ne, %get3A_102, %get3A_108 : vector<16xi32>
        %or3A_119 = arith.ori %eq3A_117, %ne3A_118 : vector<16xi1>
        %eq3A_120 = arith.constant 15 : i32
        %eq3A_121 = vector.broadcast %eq3A_120 : i32 to vector<16xi32>
        %eq3A_122 = arith.cmpi eq, %iota3A, %eq3A_121 : vector<16xi32>
        %ne3A_123 = arith.cmpi ne, %get3A_102, %get3A_114 : vector<16xi32>
        %or3A_124 = arith.ori %eq3A_122, %ne3A_123 : vector<16xi1>
        %broadcast_in_dim3A_125 = arith.constant true
        %broadcast_in_dim3A_126 = vector.broadcast %broadcast_in_dim3A_125 : i1 to vector<16xi1>
        %masked_cumsum3A_127 = tpu.scan <sum>, %get3A_96 masked %broadcast_in_dim3A_126 : vector<16xf32>, vector<16xi1> -> vector<16xf32>
        tpu.vector_store_idx %arg7[%get3A_102], %masked_cumsum3A_127 masked %or3A_124 {add = true} : memref<1024xf32, #tpu.memory_space<vmem>>[vector<16xi32>], vector<16xf32>, vector<16xi1>
        %sub3A_128 = arith.subf %get3A_96, %masked_cumsum3A_127 : vector<16xf32>
        tpu.vector_store_idx %arg7[%get3A_102], %sub3A_128 masked %or3A_119 {add = true} : memref<1024xf32, #tpu.memory_space<vmem>>[vector<16xi32>], vector<16xf32>, vector<16xi1>
        %mul3A_129 = arith.constant 2 : i32
        %mul3A_130 = arith.muli %mul3A_129, %while3A_90 : i32
        %add3A_131 = arith.constant 1 : i32
        %add3A_132 = arith.addi %mul3A_130, %add3A_131 : i32
        %mul3A_133 = arith.constant 16 : i32
        %mul3A_134 = arith.muli %add3A_132, %mul3A_133 : i32
        %get3A_135 = arith.index_cast %mul3A_134 : i32 to index
        %get3A_136 = tpu.vector_load %arg5[%get3A_135] {strides = array<i32>} : memref<6256xf32, #tpu.memory_space<vmem>>, vector<16xf32>,
        %mul3A_137 = arith.constant 16 : i32
        %mul3A_138 = arith.muli %add3A_132, %mul3A_137 : i32
        %add3A_139 = arith.constant 16 : i32
        %add3A_140 = arith.addi %add3A_139, %mul3A_138 : i32
        %get3A_141 = arith.index_cast %add3A_140 : i32 to index
        %get3A_142 = tpu.vector_load %arg6[%get3A_141] {strides = array<i32>} : memref<6288xi32, #tpu.memory_space<vmem>>, vector<16xi32>,
        %mul3A_143 = arith.constant 16 : i32
        %mul3A_144 = arith.muli %add3A_132, %mul3A_143 : i32
        %add3A_145 = arith.constant 15 : i32
        %add3A_146 = arith.addi %add3A_145, %mul3A_144 : i32
        %get3A_147 = arith.index_cast %add3A_146 : i32 to index
        %get3A_148 = tpu.vector_load %arg6[%get3A_147] {strides = array<i32>} : memref<6288xi32, #tpu.memory_space<vmem>>, vector<16xi32>,
        %mul3A_149 = arith.constant 16 : i32
        %mul3A_150 = arith.muli %add3A_132, %mul3A_149 : i32
        %add3A_151 = arith.constant 17 : i32
        %add3A_152 = arith.addi %add3A_151, %mul3A_150 : i32
        %get3A_153 = arith.index_cast %add3A_152 : i32 to index
        %get3A_154 = tpu.vector_load %arg6[%get3A_153] {strides = array<i32>} : memref<6288xi32, #tpu.memory_space<vmem>>, vector<16xi32>,
        %eq3A_155 = arith.constant 0 : i32
        %eq3A_156 = vector.broadcast %eq3A_155 : i32 to vector<16xi32>
        %eq3A_157 = arith.cmpi eq, %iota3A, %eq3A_156 : vector<16xi32>
        %ne3A_158 = arith.cmpi ne, %get3A_142, %get3A_148 : vector<16xi32>
        %or3A_159 = arith.ori %eq3A_157, %ne3A_158 : vector<16xi1>
        %eq3A_160 = arith.constant 15 : i32
        %eq3A_161 = vector.broadcast %eq3A_160 : i32 to vector<16xi32>
        %eq3A_162 = arith.cmpi eq, %iota3A, %eq3A_161 : vector<16xi32>
        %ne3A_163 = arith.cmpi ne, %get3A_142, %get3A_154 : vector<16xi32>
        %or3A_164 = arith.ori %eq3A_162, %ne3A_163 : vector<16xi1>
        %broadcast_in_dim3A_165 = arith.constant true
        %broadcast_in_dim3A_166 = vector.broadcast %broadcast_in_dim3A_165 : i1 to vector<16xi1>
        %masked_cumsum3A_167 = tpu.scan <sum>, %get3A_136 masked %broadcast_in_dim3A_166 : vector<16xf32>, vector<16xi1> -> vector<16xf32>
        tpu.vector_store_idx %arg7[%get3A_142], %masked_cumsum3A_167 masked %or3A_164 {add = true} : memref<1024xf32, #tpu.memory_space<vmem>>[vector<16xi32>], vector<16xf32>, vector<16xi1>
        %sub3A_168 = arith.subf %get3A_136, %masked_cumsum3A_167 : vector<16xf32>
        tpu.vector_store_idx %arg7[%get3A_142], %sub3A_168 masked %or3A_159 {add = true} : memref<1024xf32, #tpu.memory_space<vmem>>[vector<16xi32>], vector<16xf32>, vector<16xi1>
      }
      %sub3A_56 = arith.constant 1 : i32
      %sub3A_57 = arith.subi %select_n3A, %sub3A_56 : i32
      %mul3A_58 = arith.constant 16 : i32
      %mul3A_59 = arith.muli %sub3A_57, %mul3A_58 : i32
      %get3A = arith.index_cast %mul3A_59 : i32 to index
      %get3A_60 = tpu.vector_load %arg5[%get3A] {strides = array<i32>} : memref<6256xf32, #tpu.memory_space<vmem>>, vector<16xf32>,
      %mul3A_61 = arith.constant 16 : i32
      %mul3A_62 = arith.muli %sub3A_57, %mul3A_61 : i32
      %add3A = arith.constant 16 : i32
      %add3A_63 = arith.addi %add3A, %mul3A_62 : i32
      %get3A_64 = arith.index_cast %add3A_63 : i32 to index
      %get3A_65 = tpu.vector_load %arg6[%get3A_64] {strides = array<i32>} : memref<6288xi32, #tpu.memory_space<vmem>>, vector<16xi32>,
      %mul3A_66 = arith.constant 16 : i32
      %mul3A_67 = arith.muli %sub3A_57, %mul3A_66 : i32
      %add3A_68 = arith.constant 15 : i32
      %add3A_69 = arith.addi %add3A_68, %mul3A_67 : i32
      %get3A_70 = arith.index_cast %add3A_69 : i32 to index
      %get3A_71 = tpu.vector_load %arg6[%get3A_70] {strides = array<i32>} : memref<6288xi32, #tpu.memory_space<vmem>>, vector<16xi32>,
      %mul3A_72 = arith.constant 16 : i32
      %mul3A_73 = arith.muli %sub3A_57, %mul3A_72 : i32
      %add3A_74 = arith.constant 17 : i32
      %add3A_75 = arith.addi %add3A_74, %mul3A_73 : i32
      %get3A_76 = arith.index_cast %add3A_75 : i32 to index
      %get3A_77 = tpu.vector_load %arg6[%get3A_76] {strides = array<i32>} : memref<6288xi32, #tpu.memory_space<vmem>>, vector<16xi32>,
      %eq3A_78 = arith.constant 0 : i32
      %eq3A_79 = vector.broadcast %eq3A_78 : i32 to vector<16xi32>
      %eq3A_80 = arith.cmpi eq, %iota3A, %eq3A_79 : vector<16xi32>
      %ne3A_81 = arith.cmpi ne, %get3A_65, %get3A_71 : vector<16xi32>
      %or3A = arith.ori %eq3A_80, %ne3A_81 : vector<16xi1>
      %eq3A_82 = arith.constant 15 : i32
      %eq3A_83 = vector.broadcast %eq3A_82 : i32 to vector<16xi32>
      %eq3A_84 = arith.cmpi eq, %iota3A, %eq3A_83 : vector<16xi32>
      %ne3A_85 = arith.cmpi ne, %get3A_65, %get3A_77 : vector<16xi32>
      %or3A_86 = arith.ori %eq3A_84, %ne3A_85 : vector<16xi1>
      %broadcast_in_dim3A_87 = arith.constant true
      %broadcast_in_dim3A_88 = vector.broadcast %broadcast_in_dim3A_87 : i1 to vector<16xi1>
      %masked_cumsum3A = tpu.scan <sum>, %get3A_60 masked %broadcast_in_dim3A_88 : vector<16xf32>, vector<16xi1> -> vector<16xf32>
      tpu.vector_store_idx %arg7[%get3A_65], %masked_cumsum3A masked %or3A_86 {add = true} : memref<1024xf32, #tpu.memory_space<vmem>>[vector<16xi32>], vector<16xf32>, vector<16xi1>
      %sub3A_89 = arith.subf %get3A_60, %masked_cumsum3A : vector<16xf32>
      tpu.vector_store_idx %arg7[%get3A_65], %sub3A_89 masked %or3A {add = true} : memref<1024xf32, #tpu.memory_space<vmem>>[vector<16xi32>], vector<16xf32>, vector<16xi1>
      "tpu.region"() ({
        %run_scoped3A = tpu.sem_alloc : memref<!tpu.dma_semaphore, #tpu.memory_space<semaphore_mem>>
        %dma_start3A = arith.constant 0 : i32
        %dma_start3A_90 = tpu.memref_slice %arg10[%arg1, %dma_start3A] : memref<16x1024xf32, #tpu.memory_space<vmem_shared>> -> memref<1x1024xf32, #tpu.memory_space<vmem_shared>>
        %dma_start3A_91 = tpu.memref_squeeze %dma_start3A_90 : memref<1x1024xf32, #tpu.memory_space<vmem_shared>> -> memref<1024xf32, #tpu.memory_space<vmem_shared>>
        %dma_start3A_92 = arith.constant 0 : i32
        %dma_start3A_93 = tpu.memref_slice %arg10[%arg1, %dma_start3A_92] : memref<16x1024xf32, #tpu.memory_space<vmem_shared>> -> memref<1x1024xf32, #tpu.memory_space<vmem_shared>>
        %dma_start3A_94 = tpu.memref_squeeze %dma_start3A_93 : memref<1x1024xf32, #tpu.memory_space<vmem_shared>> -> memref<1024xf32, #tpu.memory_space<vmem_shared>>
        tpu.enqueue_dma source(%arg7 : memref<1024xf32, #tpu.memory_space<vmem>>) target(%dma_start3A_94 : memref<1024xf32, #tpu.memory_space<vmem_shared>>) target_semaphore(%run_scoped3A : memref<!tpu.dma_semaphore, #tpu.memory_space<semaphore_mem>>)
        %dma_wait3A = arith.constant 0 : i32
        %dma_wait3A_95 = tpu.memref_slice %arg10[%arg1, %dma_wait3A] : memref<16x1024xf32, #tpu.memory_space<vmem_shared>> -> memref<1x1024xf32, #tpu.memory_space<vmem_shared>>
        %dma_wait3A_96 = tpu.memref_squeeze %dma_wait3A_95 : memref<1x1024xf32, #tpu.memory_space<vmem_shared>> -> memref<1024xf32, #tpu.memory_space<vmem_shared>>
        %dma_wait3A_97 = arith.constant 0 : i32
        %dma_wait3A_98 = tpu.memref_slice %arg10[%arg1, %dma_wait3A_97] : memref<16x1024xf32, #tpu.memory_space<vmem_shared>> -> memref<1x1024xf32, #tpu.memory_space<vmem_shared>>
        %dma_wait3A_99 = tpu.memref_squeeze %dma_wait3A_98 : memref<1x1024xf32, #tpu.memory_space<vmem_shared>> -> memref<1024xf32, #tpu.memory_space<vmem_shared>>
        tpu.wait_dma2 semaphore(%run_scoped3A : memref<!tpu.dma_semaphore, #tpu.memory_space<semaphore_mem>>) src(%arg7 : memref<1024xf32, #tpu.memory_space<vmem>>) dst(%dma_wait3A_99 : memref<1024xf32, #tpu.memory_space<vmem_shared>>)
        tpu.yield
      }) : () -> ()
    } else {
    }
    %barrier3A = arith.constant 0 : index
    tpu.barrier barrier_id(%barrier3A)
    %eq3A_2 = arith.constant 0 : i32
    %eq3A_3 = arith.cmpi eq, %arg0, %eq3A_2 : i32
    %lt3A = arith.constant 8 : i32
    %lt3A_4 = arith.cmpi slt, %arg1, %lt3A : i32
    %and3A = arith.andi %eq3A_3, %lt3A_4 : i1
    %convert_element_type3A_5 = arith.extui %and3A : i1 to i32
    %cond3A_6 = arith.constant 0 : i32
    %cond3A_7 = arith.cmpi ne, %convert_element_type3A_5, %cond3A_6 : i32
    scf.if %cond3A_7 {
      %mul3A = arith.constant 128 : i32
      %mul3A_8 = arith.muli %arg1, %mul3A : i32
      "tpu.region"() ({
        %run_scoped3A = tpu.sem_alloc : memref<!tpu.dma_semaphore, #tpu.memory_space<semaphore_mem>>
        %dma_start3A = arith.constant 0 : i32
        %dma_start3A_677 = tpu.memref_slice %arg10[%dma_start3A, %mul3A_8] : memref<16x1024xf32, #tpu.memory_space<vmem_shared>> -> memref<16x128xf32, #tpu.memory_space<vmem_shared>>
        %dma_start3A_678 = arith.constant 0 : i32
        %dma_start3A_679 = tpu.memref_slice %arg10[%dma_start3A_678, %mul3A_8] : memref<16x1024xf32, #tpu.memory_space<vmem_shared>> -> memref<16x128xf32, #tpu.memory_space<vmem_shared>>
        tpu.enqueue_dma source(%dma_start3A_679 : memref<16x128xf32, #tpu.memory_space<vmem_shared>>) target(%arg8 : memref<16x128xf32, #tpu.memory_space<vmem>>) target_semaphore(%run_scoped3A : memref<!tpu.dma_semaphore, #tpu.memory_space<semaphore_mem>>)
        %dma_wait3A = arith.constant 0 : i32
        %dma_wait3A_680 = tpu.memref_slice %arg10[%dma_wait3A, %mul3A_8] : memref<16x1024xf32, #tpu.memory_space<vmem_shared>> -> memref<16x128xf32, #tpu.memory_space<vmem_shared>>
        %dma_wait3A_681 = arith.constant 0 : i32
        %dma_wait3A_682 = tpu.memref_slice %arg10[%dma_wait3A_681, %mul3A_8] : memref<16x1024xf32, #tpu.memory_space<vmem_shared>> -> memref<16x128xf32, #tpu.memory_space<vmem_shared>>
        tpu.wait_dma2 semaphore(%run_scoped3A : memref<!tpu.dma_semaphore, #tpu.memory_space<semaphore_mem>>) src(%dma_wait3A_682 : memref<16x128xf32, #tpu.memory_space<vmem_shared>>) dst(%arg8 : memref<16x128xf32, #tpu.memory_space<vmem>>)
        tpu.yield
      }) : () -> ()
      %broadcast_in_dim3A = arith.constant 0.000000e+00 : f32
      %broadcast_in_dim3A_9 = vector.broadcast %broadcast_in_dim3A : f32 to vector<16xf32>
      %get3A = arith.constant 0 : i32
      %get3A_10 = arith.index_cast %get3A : i32 to index
      %get3A_11 = arith.constant 0 : index
      %get3A_12 = tpu.vector_load %arg8[%get3A_10, %get3A_11] {strides = array<i32>} : memref<16x128xf32, #tpu.memory_space<vmem>>, vector<16xf32>,
      %add3A = arith.addf %broadcast_in_dim3A_9, %get3A_12 : vector<16xf32>
      %get3A_13 = arith.constant 1 : i32
      %get3A_14 = arith.index_cast %get3A_13 : i32 to index
      %get3A_15 = arith.constant 0 : index
      %get3A_16 = tpu.vector_load %arg8[%get3A_14, %get3A_15] {strides = array<i32>} : memref<16x128xf32, #tpu.memory_space<vmem>>, vector<16xf32>,
      %add3A_17 = arith.addf %add3A, %get3A_16 : vector<16xf32>
      %get3A_18 = arith.constant 2 : i32
      %get3A_19 = arith.index_cast %get3A_18 : i32 to index
      %get3A_20 = arith.constant 0 : index
      %get3A_21 = tpu.vector_load %arg8[%get3A_19, %get3A_20] {strides = array<i32>} : memref<16x128xf32, #tpu.memory_space<vmem>>, vector<16xf32>,
      %add3A_22 = arith.addf %add3A_17, %get3A_21 : vector<16xf32>
      %get3A_23 = arith.constant 3 : i32
      %get3A_24 = arith.index_cast %get3A_23 : i32 to index
      %get3A_25 = arith.constant 0 : index
      %get3A_26 = tpu.vector_load %arg8[%get3A_24, %get3A_25] {strides = array<i32>} : memref<16x128xf32, #tpu.memory_space<vmem>>, vector<16xf32>,
      %add3A_27 = arith.addf %add3A_22, %get3A_26 : vector<16xf32>
      %get3A_28 = arith.constant 4 : i32
      %get3A_29 = arith.index_cast %get3A_28 : i32 to index
      %get3A_30 = arith.constant 0 : index
      %get3A_31 = tpu.vector_load %arg8[%get3A_29, %get3A_30] {strides = array<i32>} : memref<16x128xf32, #tpu.memory_space<vmem>>, vector<16xf32>,
      %add3A_32 = arith.addf %add3A_27, %get3A_31 : vector<16xf32>
      %get3A_33 = arith.constant 5 : i32
      %get3A_34 = arith.index_cast %get3A_33 : i32 to index
      %get3A_35 = arith.constant 0 : index
      %get3A_36 = tpu.vector_load %arg8[%get3A_34, %get3A_35] {strides = array<i32>} : memref<16x128xf32, #tpu.memory_space<vmem>>, vector<16xf32>,
      %add3A_37 = arith.addf %add3A_32, %get3A_36 : vector<16xf32>
      %get3A_38 = arith.constant 6 : i32
      %get3A_39 = arith.index_cast %get3A_38 : i32 to index
      %get3A_40 = arith.constant 0 : index
      %get3A_41 = tpu.vector_load %arg8[%get3A_39, %get3A_40] {strides = array<i32>} : memref<16x128xf32, #tpu.memory_space<vmem>>, vector<16xf32>,
      %add3A_42 = arith.addf %add3A_37, %get3A_41 : vector<16xf32>
      %get3A_43 = arith.constant 7 : i32
      %get3A_44 = arith.index_cast %get3A_43 : i32 to index
      %get3A_45 = arith.constant 0 : index
      %get3A_46 = tpu.vector_load %arg8[%get3A_44, %get3A_45] {strides = array<i32>} : memref<16x128xf32, #tpu.memory_space<vmem>>, vector<16xf32>,
      %add3A_47 = arith.addf %add3A_42, %get3A_46 : vector<16xf32>
      %get3A_48 = arith.constant 8 : i32
      %get3A_49 = arith.index_cast %get3A_48 : i32 to index
      %get3A_50 = arith.constant 0 : index
      %get3A_51 = tpu.vector_load %arg8[%get3A_49, %get3A_50] {strides = array<i32>} : memref<16x128xf32, #tpu.memory_space<vmem>>, vector<16xf32>,
      %add3A_52 = arith.addf %add3A_47, %get3A_51 : vector<16xf32>
      %get3A_53 = arith.constant 9 : i32
      %get3A_54 = arith.index_cast %get3A_53 : i32 to index
      %get3A_55 = arith.constant 0 : index
      %get3A_56 = tpu.vector_load %arg8[%get3A_54, %get3A_55] {strides = array<i32>} : memref<16x128xf32, #tpu.memory_space<vmem>>, vector<16xf32>,
      %add3A_57 = arith.addf %add3A_52, %get3A_56 : vector<16xf32>
      %get3A_58 = arith.constant 10 : i32
      %get3A_59 = arith.index_cast %get3A_58 : i32 to index
      %get3A_60 = arith.constant 0 : index
      %get3A_61 = tpu.vector_load %arg8[%get3A_59, %get3A_60] {strides = array<i32>} : memref<16x128xf32, #tpu.memory_space<vmem>>, vector<16xf32>,
      %add3A_62 = arith.addf %add3A_57, %get3A_61 : vector<16xf32>
      %get3A_63 = arith.constant 11 : i32
      %get3A_64 = arith.index_cast %get3A_63 : i32 to index
      %get3A_65 = arith.constant 0 : index
      %get3A_66 = tpu.vector_load %arg8[%get3A_64, %get3A_65] {strides = array<i32>} : memref<16x128xf32, #tpu.memory_space<vmem>>, vector<16xf32>,
      %add3A_67 = arith.addf %add3A_62, %get3A_66 : vector<16xf32>
      %get3A_68 = arith.constant 12 : i32
      %get3A_69 = arith.index_cast %get3A_68 : i32 to index
      %get3A_70 = arith.constant 0 : index
      %get3A_71 = tpu.vector_load %arg8[%get3A_69, %get3A_70] {strides = array<i32>} : memref<16x128xf32, #tpu.memory_space<vmem>>, vector<16xf32>,
      %add3A_72 = arith.addf %add3A_67, %get3A_71 : vector<16xf32>
      %get3A_73 = arith.constant 13 : i32
      %get3A_74 = arith.index_cast %get3A_73 : i32 to index
      %get3A_75 = arith.constant 0 : index
      %get3A_76 = tpu.vector_load %arg8[%get3A_74, %get3A_75] {strides = array<i32>} : memref<16x128xf32, #tpu.memory_space<vmem>>, vector<16xf32>,
      %add3A_77 = arith.addf %add3A_72, %get3A_76 : vector<16xf32>
      %get3A_78 = arith.constant 14 : i32
      %get3A_79 = arith.index_cast %get3A_78 : i32 to index
      %get3A_80 = arith.constant 0 : index
      %get3A_81 = tpu.vector_load %arg8[%get3A_79, %get3A_80] {strides = array<i32>} : memref<16x128xf32, #tpu.memory_space<vmem>>, vector<16xf32>,
      %add3A_82 = arith.addf %add3A_77, %get3A_81 : vector<16xf32>
      %get3A_83 = arith.constant 15 : i32
      %get3A_84 = arith.index_cast %get3A_83 : i32 to index
      %get3A_85 = arith.constant 0 : index
      %get3A_86 = tpu.vector_load %arg8[%get3A_84, %get3A_85] {strides = array<i32>} : memref<16x128xf32, #tpu.memory_space<vmem>>, vector<16xf32>,
      %add3A_87 = arith.addf %add3A_82, %get3A_86 : vector<16xf32>
      %swap3A = arith.constant 0 : index
      %swap3A_88 = tpu.vector_load %arg9[%swap3A] {strides = array<i32>} : memref<128xf32, #tpu.memory_space<vmem>>, vector<16xf32>,
      tpu.vector_store %arg9[%swap3A], %add3A_87 {strides = array<i32>} : memref<128xf32, #tpu.memory_space<vmem>>, vector<16xf32>,
      %broadcast_in_dim3A_89 = arith.constant 0.000000e+00 : f32
      %broadcast_in_dim3A_90 = vector.broadcast %broadcast_in_dim3A_89 : f32 to vector<16xf32>
      %get3A_91 = arith.constant 0 : i32
      %get3A_92 = arith.index_cast %get3A_91 : i32 to index
      %get3A_93 = arith.constant 16 : index
      %get3A_94 = tpu.vector_load %arg8[%get3A_92, %get3A_93] {strides = array<i32>} : memref<16x128xf32, #tpu.memory_space<vmem>>, vector<16xf32>,
      %add3A_95 = arith.addf %broadcast_in_dim3A_90, %get3A_94 : vector<16xf32>
      %get3A_96 = arith.constant 1 : i32
      %get3A_97 = arith.index_cast %get3A_96 : i32 to index
      %get3A_98 = arith.constant 16 : index
      %get3A_99 = tpu.vector_load %arg8[%get3A_97, %get3A_98] {strides = array<i32>} : memref<16x128xf32, #tpu.memory_space<vmem>>, vector<16xf32>,
      %add3A_100 = arith.addf %add3A_95, %get3A_99 : vector<16xf32>
      %get3A_101 = arith.constant 2 : i32
      %get3A_102 = arith.index_cast %get3A_101 : i32 to index
      %get3A_103 = arith.constant 16 : index
      %get3A_104 = tpu.vector_load %arg8[%get3A_102, %get3A_103] {strides = array<i32>} : memref<16x128xf32, #tpu.memory_space<vmem>>, vector<16xf32>,
      %add3A_105 = arith.addf %add3A_100, %get3A_104 : vector<16xf32>
      %get3A_106 = arith.constant 3 : i32
      %get3A_107 = arith.index_cast %get3A_106 : i32 to index
      %get3A_108 = arith.constant 16 : index
      %get3A_109 = tpu.vector_load %arg8[%get3A_107, %get3A_108] {strides = array<i32>} : memref<16x128xf32, #tpu.memory_space<vmem>>, vector<16xf32>,
      %add3A_110 = arith.addf %add3A_105, %get3A_109 : vector<16xf32>
      %get3A_111 = arith.constant 4 : i32
      %get3A_112 = arith.index_cast %get3A_111 : i32 to index
      %get3A_113 = arith.constant 16 : index
      %get3A_114 = tpu.vector_load %arg8[%get3A_112, %get3A_113] {strides = array<i32>} : memref<16x128xf32, #tpu.memory_space<vmem>>, vector<16xf32>,
      %add3A_115 = arith.addf %add3A_110, %get3A_114 : vector<16xf32>
      %get3A_116 = arith.constant 5 : i32
      %get3A_117 = arith.index_cast %get3A_116 : i32 to index
      %get3A_118 = arith.constant 16 : index
      %get3A_119 = tpu.vector_load %arg8[%get3A_117, %get3A_118] {strides = array<i32>} : memref<16x128xf32, #tpu.memory_space<vmem>>, vector<16xf32>,
      %add3A_120 = arith.addf %add3A_115, %get3A_119 : vector<16xf32>
      %get3A_121 = arith.constant 6 : i32
      %get3A_122 = arith.index_cast %get3A_121 : i32 to index
      %get3A_123 = arith.constant 16 : index
      %get3A_124 = tpu.vector_load %arg8[%get3A_122, %get3A_123] {strides = array<i32>} : memref<16x128xf32, #tpu.memory_space<vmem>>, vector<16xf32>,
      %add3A_125 = arith.addf %add3A_120, %get3A_124 : vector<16xf32>
      %get3A_126 = arith.constant 7 : i32
      %get3A_127 = arith.index_cast %get3A_126 : i32 to index
      %get3A_128 = arith.constant 16 : index
      %get3A_129 = tpu.vector_load %arg8[%get3A_127, %get3A_128] {strides = array<i32>} : memref<16x128xf32, #tpu.memory_space<vmem>>, vector<16xf32>,
      %add3A_130 = arith.addf %add3A_125, %get3A_129 : vector<16xf32>
      %get3A_131 = arith.constant 8 : i32
      %get3A_132 = arith.index_cast %get3A_131 : i32 to index
      %get3A_133 = arith.constant 16 : index
      %get3A_134 = tpu.vector_load %arg8[%get3A_132, %get3A_133] {strides = array<i32>} : memref<16x128xf32, #tpu.memory_space<vmem>>, vector<16xf32>,
      %add3A_135 = arith.addf %add3A_130, %get3A_134 : vector<16xf32>
      %get3A_136 = arith.constant 9 : i32
      %get3A_137 = arith.index_cast %get3A_136 : i32 to index
      %get3A_138 = arith.constant 16 : index
      %get3A_139 = tpu.vector_load %arg8[%get3A_137, %get3A_138] {strides = array<i32>} : memref<16x128xf32, #tpu.memory_space<vmem>>, vector<16xf32>,
      %add3A_140 = arith.addf %add3A_135, %get3A_139 : vector<16xf32>
      %get3A_141 = arith.constant 10 : i32
      %get3A_142 = arith.index_cast %get3A_141 : i32 to index
      %get3A_143 = arith.constant 16 : index
      %get3A_144 = tpu.vector_load %arg8[%get3A_142, %get3A_143] {strides = array<i32>} : memref<16x128xf32, #tpu.memory_space<vmem>>, vector<16xf32>,
      %add3A_145 = arith.addf %add3A_140, %get3A_144 : vector<16xf32>
      %get3A_146 = arith.constant 11 : i32
      %get3A_147 = arith.index_cast %get3A_146 : i32 to index
      %get3A_148 = arith.constant 16 : index
      %get3A_149 = tpu.vector_load %arg8[%get3A_147, %get3A_148] {strides = array<i32>} : memref<16x128xf32, #tpu.memory_space<vmem>>, vector<16xf32>,
      %add3A_150 = arith.addf %add3A_145, %get3A_149 : vector<16xf32>
      %get3A_151 = arith.constant 12 : i32
      %get3A_152 = arith.index_cast %get3A_151 : i32 to index
      %get3A_153 = arith.constant 16 : index
      %get3A_154 = tpu.vector_load %arg8[%get3A_152, %get3A_153] {strides = array<i32>} : memref<16x128xf32, #tpu.memory_space<vmem>>, vector<16xf32>,
      %add3A_155 = arith.addf %add3A_150, %get3A_154 : vector<16xf32>
      %get3A_156 = arith.constant 13 : i32
      %get3A_157 = arith.index_cast %get3A_156 : i32 to index
      %get3A_158 = arith.constant 16 : index
      %get3A_159 = tpu.vector_load %arg8[%get3A_157, %get3A_158] {strides = array<i32>} : memref<16x128xf32, #tpu.memory_space<vmem>>, vector<16xf32>,
      %add3A_160 = arith.addf %add3A_155, %get3A_159 : vector<16xf32>
      %get3A_161 = arith.constant 14 : i32
      %get3A_162 = arith.index_cast %get3A_161 : i32 to index
      %get3A_163 = arith.constant 16 : index
      %get3A_164 = tpu.vector_load %arg8[%get3A_162, %get3A_163] {strides = array<i32>} : memref<16x128xf32, #tpu.memory_space<vmem>>, vector<16xf32>,
      %add3A_165 = arith.addf %add3A_160, %get3A_164 : vector<16xf32>
      %get3A_166 = arith.constant 15 : i32
      %get3A_167 = arith.index_cast %get3A_166 : i32 to index
      %get3A_168 = arith.constant 16 : index
      %get3A_169 = tpu.vector_load %arg8[%get3A_167, %get3A_168] {strides = array<i32>} : memref<16x128xf32, #tpu.memory_space<vmem>>, vector<16xf32>,
      %add3A_170 = arith.addf %add3A_165, %get3A_169 : vector<16xf32>
      %swap3A_171 = arith.constant 16 : index
      %swap3A_172 = tpu.vector_load %arg9[%swap3A_171] {strides = array<i32>} : memref<128xf32, #tpu.memory_space<vmem>>, vector<16xf32>,
      tpu.vector_store %arg9[%swap3A_171], %add3A_170 {strides = array<i32>} : memref<128xf32, #tpu.memory_space<vmem>>, vector<16xf32>,
      %broadcast_in_dim3A_173 = arith.constant 0.000000e+00 : f32
      %broadcast_in_dim3A_174 = vector.broadcast %broadcast_in_dim3A_173 : f32 to vector<16xf32>
      %get3A_175 = arith.constant 0 : i32
      %get3A_176 = arith.index_cast %get3A_175 : i32 to index
      %get3A_177 = arith.constant 32 : index
      %get3A_178 = tpu.vector_load %arg8[%get3A_176, %get3A_177] {strides = array<i32>} : memref<16x128xf32, #tpu.memory_space<vmem>>, vector<16xf32>,
      %add3A_179 = arith.addf %broadcast_in_dim3A_174, %get3A_178 : vector<16xf32>
      %get3A_180 = arith.constant 1 : i32
      %get3A_181 = arith.index_cast %get3A_180 : i32 to index
      %get3A_182 = arith.constant 32 : index
      %get3A_183 = tpu.vector_load %arg8[%get3A_181, %get3A_182] {strides = array<i32>} : memref<16x128xf32, #tpu.memory_space<vmem>>, vector<16xf32>,
      %add3A_184 = arith.addf %add3A_179, %get3A_183 : vector<16xf32>
      %get3A_185 = arith.constant 2 : i32
      %get3A_186 = arith.index_cast %get3A_185 : i32 to index
      %get3A_187 = arith.constant 32 : index
      %get3A_188 = tpu.vector_load %arg8[%get3A_186, %get3A_187] {strides = array<i32>} : memref<16x128xf32, #tpu.memory_space<vmem>>, vector<16xf32>,
      %add3A_189 = arith.addf %add3A_184, %get3A_188 : vector<16xf32>
      %get3A_190 = arith.constant 3 : i32
      %get3A_191 = arith.index_cast %get3A_190 : i32 to index
      %get3A_192 = arith.constant 32 : index
      %get3A_193 = tpu.vector_load %arg8[%get3A_191, %get3A_192] {strides = array<i32>} : memref<16x128xf32, #tpu.memory_space<vmem>>, vector<16xf32>,
      %add3A_194 = arith.addf %add3A_189, %get3A_193 : vector<16xf32>
      %get3A_195 = arith.constant 4 : i32
      %get3A_196 = arith.index_cast %get3A_195 : i32 to index
      %get3A_197 = arith.constant 32 : index
      %get3A_198 = tpu.vector_load %arg8[%get3A_196, %get3A_197] {strides = array<i32>} : memref<16x128xf32, #tpu.memory_space<vmem>>, vector<16xf32>,
      %add3A_199 = arith.addf %add3A_194, %get3A_198 : vector<16xf32>
      %get3A_200 = arith.constant 5 : i32
      %get3A_201 = arith.index_cast %get3A_200 : i32 to index
      %get3A_202 = arith.constant 32 : index
      %get3A_203 = tpu.vector_load %arg8[%get3A_201, %get3A_202] {strides = array<i32>} : memref<16x128xf32, #tpu.memory_space<vmem>>, vector<16xf32>,
      %add3A_204 = arith.addf %add3A_199, %get3A_203 : vector<16xf32>
      %get3A_205 = arith.constant 6 : i32
      %get3A_206 = arith.index_cast %get3A_205 : i32 to index
      %get3A_207 = arith.constant 32 : index
      %get3A_208 = tpu.vector_load %arg8[%get3A_206, %get3A_207] {strides = array<i32>} : memref<16x128xf32, #tpu.memory_space<vmem>>, vector<16xf32>,
      %add3A_209 = arith.addf %add3A_204, %get3A_208 : vector<16xf32>
      %get3A_210 = arith.constant 7 : i32
      %get3A_211 = arith.index_cast %get3A_210 : i32 to index
      %get3A_212 = arith.constant 32 : index
      %get3A_213 = tpu.vector_load %arg8[%get3A_211, %get3A_212] {strides = array<i32>} : memref<16x128xf32, #tpu.memory_space<vmem>>, vector<16xf32>,
      %add3A_214 = arith.addf %add3A_209, %get3A_213 : vector<16xf32>
      %get3A_215 = arith.constant 8 : i32
      %get3A_216 = arith.index_cast %get3A_215 : i32 to index
      %get3A_217 = arith.constant 32 : index
      %get3A_218 = tpu.vector_load %arg8[%get3A_216, %get3A_217] {strides = array<i32>} : memref<16x128xf32, #tpu.memory_space<vmem>>, vector<16xf32>,
      %add3A_219 = arith.addf %add3A_214, %get3A_218 : vector<16xf32>
      %get3A_220 = arith.constant 9 : i32
      %get3A_221 = arith.index_cast %get3A_220 : i32 to index
      %get3A_222 = arith.constant 32 : index
      %get3A_223 = tpu.vector_load %arg8[%get3A_221, %get3A_222] {strides = array<i32>} : memref<16x128xf32, #tpu.memory_space<vmem>>, vector<16xf32>,
      %add3A_224 = arith.addf %add3A_219, %get3A_223 : vector<16xf32>
      %get3A_225 = arith.constant 10 : i32
      %get3A_226 = arith.index_cast %get3A_225 : i32 to index
      %get3A_227 = arith.constant 32 : index
      %get3A_228 = tpu.vector_load %arg8[%get3A_226, %get3A_227] {strides = array<i32>} : memref<16x128xf32, #tpu.memory_space<vmem>>, vector<16xf32>,
      %add3A_229 = arith.addf %add3A_224, %get3A_228 : vector<16xf32>
      %get3A_230 = arith.constant 11 : i32
      %get3A_231 = arith.index_cast %get3A_230 : i32 to index
      %get3A_232 = arith.constant 32 : index
      %get3A_233 = tpu.vector_load %arg8[%get3A_231, %get3A_232] {strides = array<i32>} : memref<16x128xf32, #tpu.memory_space<vmem>>, vector<16xf32>,
      %add3A_234 = arith.addf %add3A_229, %get3A_233 : vector<16xf32>
      %get3A_235 = arith.constant 12 : i32
      %get3A_236 = arith.index_cast %get3A_235 : i32 to index
      %get3A_237 = arith.constant 32 : index
      %get3A_238 = tpu.vector_load %arg8[%get3A_236, %get3A_237] {strides = array<i32>} : memref<16x128xf32, #tpu.memory_space<vmem>>, vector<16xf32>,
      %add3A_239 = arith.addf %add3A_234, %get3A_238 : vector<16xf32>
      %get3A_240 = arith.constant 13 : i32
      %get3A_241 = arith.index_cast %get3A_240 : i32 to index
      %get3A_242 = arith.constant 32 : index
      %get3A_243 = tpu.vector_load %arg8[%get3A_241, %get3A_242] {strides = array<i32>} : memref<16x128xf32, #tpu.memory_space<vmem>>, vector<16xf32>,
      %add3A_244 = arith.addf %add3A_239, %get3A_243 : vector<16xf32>
      %get3A_245 = arith.constant 14 : i32
      %get3A_246 = arith.index_cast %get3A_245 : i32 to index
      %get3A_247 = arith.constant 32 : index
      %get3A_248 = tpu.vector_load %arg8[%get3A_246, %get3A_247] {strides = array<i32>} : memref<16x128xf32, #tpu.memory_space<vmem>>, vector<16xf32>,
      %add3A_249 = arith.addf %add3A_244, %get3A_248 : vector<16xf32>
      %get3A_250 = arith.constant 15 : i32
      %get3A_251 = arith.index_cast %get3A_250 : i32 to index
      %get3A_252 = arith.constant 32 : index
      %get3A_253 = tpu.vector_load %arg8[%get3A_251, %get3A_252] {strides = array<i32>} : memref<16x128xf32, #tpu.memory_space<vmem>>, vector<16xf32>,
      %add3A_254 = arith.addf %add3A_249, %get3A_253 : vector<16xf32>
      %swap3A_255 = arith.constant 32 : index
      %swap3A_256 = tpu.vector_load %arg9[%swap3A_255] {strides = array<i32>} : memref<128xf32, #tpu.memory_space<vmem>>, vector<16xf32>,
      tpu.vector_store %arg9[%swap3A_255], %add3A_254 {strides = array<i32>} : memref<128xf32, #tpu.memory_space<vmem>>, vector<16xf32>,
      %broadcast_in_dim3A_257 = arith.constant 0.000000e+00 : f32
      %broadcast_in_dim3A_258 = vector.broadcast %broadcast_in_dim3A_257 : f32 to vector<16xf32>
      %get3A_259 = arith.constant 0 : i32
      %get3A_260 = arith.index_cast %get3A_259 : i32 to index
      %get3A_261 = arith.constant 48 : index
      %get3A_262 = tpu.vector_load %arg8[%get3A_260, %get3A_261] {strides = array<i32>} : memref<16x128xf32, #tpu.memory_space<vmem>>, vector<16xf32>,
      %add3A_263 = arith.addf %broadcast_in_dim3A_258, %get3A_262 : vector<16xf32>
      %get3A_264 = arith.constant 1 : i32
      %get3A_265 = arith.index_cast %get3A_264 : i32 to index
      %get3A_266 = arith.constant 48 : index
      %get3A_267 = tpu.vector_load %arg8[%get3A_265, %get3A_266] {strides = array<i32>} : memref<16x128xf32, #tpu.memory_space<vmem>>, vector<16xf32>,
      %add3A_268 = arith.addf %add3A_263, %get3A_267 : vector<16xf32>
      %get3A_269 = arith.constant 2 : i32
      %get3A_270 = arith.index_cast %get3A_269 : i32 to index
      %get3A_271 = arith.constant 48 : index
      %get3A_272 = tpu.vector_load %arg8[%get3A_270, %get3A_271] {strides = array<i32>} : memref<16x128xf32, #tpu.memory_space<vmem>>, vector<16xf32>,
      %add3A_273 = arith.addf %add3A_268, %get3A_272 : vector<16xf32>
      %get3A_274 = arith.constant 3 : i32
      %get3A_275 = arith.index_cast %get3A_274 : i32 to index
      %get3A_276 = arith.constant 48 : index
      %get3A_277 = tpu.vector_load %arg8[%get3A_275, %get3A_276] {strides = array<i32>} : memref<16x128xf32, #tpu.memory_space<vmem>>, vector<16xf32>,
      %add3A_278 = arith.addf %add3A_273, %get3A_277 : vector<16xf32>
      %get3A_279 = arith.constant 4 : i32
      %get3A_280 = arith.index_cast %get3A_279 : i32 to index
      %get3A_281 = arith.constant 48 : index
      %get3A_282 = tpu.vector_load %arg8[%get3A_280, %get3A_281] {strides = array<i32>} : memref<16x128xf32, #tpu.memory_space<vmem>>, vector<16xf32>,
      %add3A_283 = arith.addf %add3A_278, %get3A_282 : vector<16xf32>
      %get3A_284 = arith.constant 5 : i32
      %get3A_285 = arith.index_cast %get3A_284 : i32 to index
      %get3A_286 = arith.constant 48 : index
      %get3A_287 = tpu.vector_load %arg8[%get3A_285, %get3A_286] {strides = array<i32>} : memref<16x128xf32, #tpu.memory_space<vmem>>, vector<16xf32>,
      %add3A_288 = arith.addf %add3A_283, %get3A_287 : vector<16xf32>
      %get3A_289 = arith.constant 6 : i32
      %get3A_290 = arith.index_cast %get3A_289 : i32 to index
      %get3A_291 = arith.constant 48 : index
      %get3A_292 = tpu.vector_load %arg8[%get3A_290, %get3A_291] {strides = array<i32>} : memref<16x128xf32, #tpu.memory_space<vmem>>, vector<16xf32>,
      %add3A_293 = arith.addf %add3A_288, %get3A_292 : vector<16xf32>
      %get3A_294 = arith.constant 7 : i32
      %get3A_295 = arith.index_cast %get3A_294 : i32 to index
      %get3A_296 = arith.constant 48 : index
      %get3A_297 = tpu.vector_load %arg8[%get3A_295, %get3A_296] {strides = array<i32>} : memref<16x128xf32, #tpu.memory_space<vmem>>, vector<16xf32>,
      %add3A_298 = arith.addf %add3A_293, %get3A_297 : vector<16xf32>
      %get3A_299 = arith.constant 8 : i32
      %get3A_300 = arith.index_cast %get3A_299 : i32 to index
      %get3A_301 = arith.constant 48 : index
      %get3A_302 = tpu.vector_load %arg8[%get3A_300, %get3A_301] {strides = array<i32>} : memref<16x128xf32, #tpu.memory_space<vmem>>, vector<16xf32>,
      %add3A_303 = arith.addf %add3A_298, %get3A_302 : vector<16xf32>
      %get3A_304 = arith.constant 9 : i32
      %get3A_305 = arith.index_cast %get3A_304 : i32 to index
      %get3A_306 = arith.constant 48 : index
      %get3A_307 = tpu.vector_load %arg8[%get3A_305, %get3A_306] {strides = array<i32>} : memref<16x128xf32, #tpu.memory_space<vmem>>, vector<16xf32>,
      %add3A_308 = arith.addf %add3A_303, %get3A_307 : vector<16xf32>
      %get3A_309 = arith.constant 10 : i32
      %get3A_310 = arith.index_cast %get3A_309 : i32 to index
      %get3A_311 = arith.constant 48 : index
      %get3A_312 = tpu.vector_load %arg8[%get3A_310, %get3A_311] {strides = array<i32>} : memref<16x128xf32, #tpu.memory_space<vmem>>, vector<16xf32>,
      %add3A_313 = arith.addf %add3A_308, %get3A_312 : vector<16xf32>
      %get3A_314 = arith.constant 11 : i32
      %get3A_315 = arith.index_cast %get3A_314 : i32 to index
      %get3A_316 = arith.constant 48 : index
      %get3A_317 = tpu.vector_load %arg8[%get3A_315, %get3A_316] {strides = array<i32>} : memref<16x128xf32, #tpu.memory_space<vmem>>, vector<16xf32>,
      %add3A_318 = arith.addf %add3A_313, %get3A_317 : vector<16xf32>
      %get3A_319 = arith.constant 12 : i32
      %get3A_320 = arith.index_cast %get3A_319 : i32 to index
      %get3A_321 = arith.constant 48 : index
      %get3A_322 = tpu.vector_load %arg8[%get3A_320, %get3A_321] {strides = array<i32>} : memref<16x128xf32, #tpu.memory_space<vmem>>, vector<16xf32>,
      %add3A_323 = arith.addf %add3A_318, %get3A_322 : vector<16xf32>
      %get3A_324 = arith.constant 13 : i32
      %get3A_325 = arith.index_cast %get3A_324 : i32 to index
      %get3A_326 = arith.constant 48 : index
      %get3A_327 = tpu.vector_load %arg8[%get3A_325, %get3A_326] {strides = array<i32>} : memref<16x128xf32, #tpu.memory_space<vmem>>, vector<16xf32>,
      %add3A_328 = arith.addf %add3A_323, %get3A_327 : vector<16xf32>
      %get3A_329 = arith.constant 14 : i32
      %get3A_330 = arith.index_cast %get3A_329 : i32 to index
      %get3A_331 = arith.constant 48 : index
      %get3A_332 = tpu.vector_load %arg8[%get3A_330, %get3A_331] {strides = array<i32>} : memref<16x128xf32, #tpu.memory_space<vmem>>, vector<16xf32>,
      %add3A_333 = arith.addf %add3A_328, %get3A_332 : vector<16xf32>
      %get3A_334 = arith.constant 15 : i32
      %get3A_335 = arith.index_cast %get3A_334 : i32 to index
      %get3A_336 = arith.constant 48 : index
      %get3A_337 = tpu.vector_load %arg8[%get3A_335, %get3A_336] {strides = array<i32>} : memref<16x128xf32, #tpu.memory_space<vmem>>, vector<16xf32>,
      %add3A_338 = arith.addf %add3A_333, %get3A_337 : vector<16xf32>
      %swap3A_339 = arith.constant 48 : index
      %swap3A_340 = tpu.vector_load %arg9[%swap3A_339] {strides = array<i32>} : memref<128xf32, #tpu.memory_space<vmem>>, vector<16xf32>,
      tpu.vector_store %arg9[%swap3A_339], %add3A_338 {strides = array<i32>} : memref<128xf32, #tpu.memory_space<vmem>>, vector<16xf32>,
      %broadcast_in_dim3A_341 = arith.constant 0.000000e+00 : f32
      %broadcast_in_dim3A_342 = vector.broadcast %broadcast_in_dim3A_341 : f32 to vector<16xf32>
      %get3A_343 = arith.constant 0 : i32
      %get3A_344 = arith.index_cast %get3A_343 : i32 to index
      %get3A_345 = arith.constant 64 : index
      %get3A_346 = tpu.vector_load %arg8[%get3A_344, %get3A_345] {strides = array<i32>} : memref<16x128xf32, #tpu.memory_space<vmem>>, vector<16xf32>,
      %add3A_347 = arith.addf %broadcast_in_dim3A_342, %get3A_346 : vector<16xf32>
      %get3A_348 = arith.constant 1 : i32
      %get3A_349 = arith.index_cast %get3A_348 : i32 to index
      %get3A_350 = arith.constant 64 : index
      %get3A_351 = tpu.vector_load %arg8[%get3A_349, %get3A_350] {strides = array<i32>} : memref<16x128xf32, #tpu.memory_space<vmem>>, vector<16xf32>,
      %add3A_352 = arith.addf %add3A_347, %get3A_351 : vector<16xf32>
      %get3A_353 = arith.constant 2 : i32
      %get3A_354 = arith.index_cast %get3A_353 : i32 to index
      %get3A_355 = arith.constant 64 : index
      %get3A_356 = tpu.vector_load %arg8[%get3A_354, %get3A_355] {strides = array<i32>} : memref<16x128xf32, #tpu.memory_space<vmem>>, vector<16xf32>,
      %add3A_357 = arith.addf %add3A_352, %get3A_356 : vector<16xf32>
      %get3A_358 = arith.constant 3 : i32
      %get3A_359 = arith.index_cast %get3A_358 : i32 to index
      %get3A_360 = arith.constant 64 : index
      %get3A_361 = tpu.vector_load %arg8[%get3A_359, %get3A_360] {strides = array<i32>} : memref<16x128xf32, #tpu.memory_space<vmem>>, vector<16xf32>,
      %add3A_362 = arith.addf %add3A_357, %get3A_361 : vector<16xf32>
      %get3A_363 = arith.constant 4 : i32
      %get3A_364 = arith.index_cast %get3A_363 : i32 to index
      %get3A_365 = arith.constant 64 : index
      %get3A_366 = tpu.vector_load %arg8[%get3A_364, %get3A_365] {strides = array<i32>} : memref<16x128xf32, #tpu.memory_space<vmem>>, vector<16xf32>,
      %add3A_367 = arith.addf %add3A_362, %get3A_366 : vector<16xf32>
      %get3A_368 = arith.constant 5 : i32
      %get3A_369 = arith.index_cast %get3A_368 : i32 to index
      %get3A_370 = arith.constant 64 : index
      %get3A_371 = tpu.vector_load %arg8[%get3A_369, %get3A_370] {strides = array<i32>} : memref<16x128xf32, #tpu.memory_space<vmem>>, vector<16xf32>,
      %add3A_372 = arith.addf %add3A_367, %get3A_371 : vector<16xf32>
      %get3A_373 = arith.constant 6 : i32
      %get3A_374 = arith.index_cast %get3A_373 : i32 to index
      %get3A_375 = arith.constant 64 : index
      %get3A_376 = tpu.vector_load %arg8[%get3A_374, %get3A_375] {strides = array<i32>} : memref<16x128xf32, #tpu.memory_space<vmem>>, vector<16xf32>,
      %add3A_377 = arith.addf %add3A_372, %get3A_376 : vector<16xf32>
      %get3A_378 = arith.constant 7 : i32
      %get3A_379 = arith.index_cast %get3A_378 : i32 to index
      %get3A_380 = arith.constant 64 : index
      %get3A_381 = tpu.vector_load %arg8[%get3A_379, %get3A_380] {strides = array<i32>} : memref<16x128xf32, #tpu.memory_space<vmem>>, vector<16xf32>,
      %add3A_382 = arith.addf %add3A_377, %get3A_381 : vector<16xf32>
      %get3A_383 = arith.constant 8 : i32
      %get3A_384 = arith.index_cast %get3A_383 : i32 to index
      %get3A_385 = arith.constant 64 : index
      %get3A_386 = tpu.vector_load %arg8[%get3A_384, %get3A_385] {strides = array<i32>} : memref<16x128xf32, #tpu.memory_space<vmem>>, vector<16xf32>,
      %add3A_387 = arith.addf %add3A_382, %get3A_386 : vector<16xf32>
      %get3A_388 = arith.constant 9 : i32
      %get3A_389 = arith.index_cast %get3A_388 : i32 to index
      %get3A_390 = arith.constant 64 : index
      %get3A_391 = tpu.vector_load %arg8[%get3A_389, %get3A_390] {strides = array<i32>} : memref<16x128xf32, #tpu.memory_space<vmem>>, vector<16xf32>,
      %add3A_392 = arith.addf %add3A_387, %get3A_391 : vector<16xf32>
      %get3A_393 = arith.constant 10 : i32
      %get3A_394 = arith.index_cast %get3A_393 : i32 to index
      %get3A_395 = arith.constant 64 : index
      %get3A_396 = tpu.vector_load %arg8[%get3A_394, %get3A_395] {strides = array<i32>} : memref<16x128xf32, #tpu.memory_space<vmem>>, vector<16xf32>,
      %add3A_397 = arith.addf %add3A_392, %get3A_396 : vector<16xf32>
      %get3A_398 = arith.constant 11 : i32
      %get3A_399 = arith.index_cast %get3A_398 : i32 to index
      %get3A_400 = arith.constant 64 : index
      %get3A_401 = tpu.vector_load %arg8[%get3A_399, %get3A_400] {strides = array<i32>} : memref<16x128xf32, #tpu.memory_space<vmem>>, vector<16xf32>,
      %add3A_402 = arith.addf %add3A_397, %get3A_401 : vector<16xf32>
      %get3A_403 = arith.constant 12 : i32
      %get3A_404 = arith.index_cast %get3A_403 : i32 to index
      %get3A_405 = arith.constant 64 : index
      %get3A_406 = tpu.vector_load %arg8[%get3A_404, %get3A_405] {strides = array<i32>} : memref<16x128xf32, #tpu.memory_space<vmem>>, vector<16xf32>,
      %add3A_407 = arith.addf %add3A_402, %get3A_406 : vector<16xf32>
      %get3A_408 = arith.constant 13 : i32
      %get3A_409 = arith.index_cast %get3A_408 : i32 to index
      %get3A_410 = arith.constant 64 : index
      %get3A_411 = tpu.vector_load %arg8[%get3A_409, %get3A_410] {strides = array<i32>} : memref<16x128xf32, #tpu.memory_space<vmem>>, vector<16xf32>,
      %add3A_412 = arith.addf %add3A_407, %get3A_411 : vector<16xf32>
      %get3A_413 = arith.constant 14 : i32
      %get3A_414 = arith.index_cast %get3A_413 : i32 to index
      %get3A_415 = arith.constant 64 : index
      %get3A_416 = tpu.vector_load %arg8[%get3A_414, %get3A_415] {strides = array<i32>} : memref<16x128xf32, #tpu.memory_space<vmem>>, vector<16xf32>,
      %add3A_417 = arith.addf %add3A_412, %get3A_416 : vector<16xf32>
      %get3A_418 = arith.constant 15 : i32
      %get3A_419 = arith.index_cast %get3A_418 : i32 to index
      %get3A_420 = arith.constant 64 : index
      %get3A_421 = tpu.vector_load %arg8[%get3A_419, %get3A_420] {strides = array<i32>} : memref<16x128xf32, #tpu.memory_space<vmem>>, vector<16xf32>,
      %add3A_422 = arith.addf %add3A_417, %get3A_421 : vector<16xf32>
      %swap3A_423 = arith.constant 64 : index
      %swap3A_424 = tpu.vector_load %arg9[%swap3A_423] {strides = array<i32>} : memref<128xf32, #tpu.memory_space<vmem>>, vector<16xf32>,
      tpu.vector_store %arg9[%swap3A_423], %add3A_422 {strides = array<i32>} : memref<128xf32, #tpu.memory_space<vmem>>, vector<16xf32>,
      %broadcast_in_dim3A_425 = arith.constant 0.000000e+00 : f32
      %broadcast_in_dim3A_426 = vector.broadcast %broadcast_in_dim3A_425 : f32 to vector<16xf32>
      %get3A_427 = arith.constant 0 : i32
      %get3A_428 = arith.index_cast %get3A_427 : i32 to index
      %get3A_429 = arith.constant 80 : index
      %get3A_430 = tpu.vector_load %arg8[%get3A_428, %get3A_429] {strides = array<i32>} : memref<16x128xf32, #tpu.memory_space<vmem>>, vector<16xf32>,
      %add3A_431 = arith.addf %broadcast_in_dim3A_426, %get3A_430 : vector<16xf32>
      %get3A_432 = arith.constant 1 : i32
      %get3A_433 = arith.index_cast %get3A_432 : i32 to index
      %get3A_434 = arith.constant 80 : index
      %get3A_435 = tpu.vector_load %arg8[%get3A_433, %get3A_434] {strides = array<i32>} : memref<16x128xf32, #tpu.memory_space<vmem>>, vector<16xf32>,
      %add3A_436 = arith.addf %add3A_431, %get3A_435 : vector<16xf32>
      %get3A_437 = arith.constant 2 : i32
      %get3A_438 = arith.index_cast %get3A_437 : i32 to index
      %get3A_439 = arith.constant 80 : index
      %get3A_440 = tpu.vector_load %arg8[%get3A_438, %get3A_439] {strides = array<i32>} : memref<16x128xf32, #tpu.memory_space<vmem>>, vector<16xf32>,
      %add3A_441 = arith.addf %add3A_436, %get3A_440 : vector<16xf32>
      %get3A_442 = arith.constant 3 : i32
      %get3A_443 = arith.index_cast %get3A_442 : i32 to index
      %get3A_444 = arith.constant 80 : index
      %get3A_445 = tpu.vector_load %arg8[%get3A_443, %get3A_444] {strides = array<i32>} : memref<16x128xf32, #tpu.memory_space<vmem>>, vector<16xf32>,
      %add3A_446 = arith.addf %add3A_441, %get3A_445 : vector<16xf32>
      %get3A_447 = arith.constant 4 : i32
      %get3A_448 = arith.index_cast %get3A_447 : i32 to index
      %get3A_449 = arith.constant 80 : index
      %get3A_450 = tpu.vector_load %arg8[%get3A_448, %get3A_449] {strides = array<i32>} : memref<16x128xf32, #tpu.memory_space<vmem>>, vector<16xf32>,
      %add3A_451 = arith.addf %add3A_446, %get3A_450 : vector<16xf32>
      %get3A_452 = arith.constant 5 : i32
      %get3A_453 = arith.index_cast %get3A_452 : i32 to index
      %get3A_454 = arith.constant 80 : index
      %get3A_455 = tpu.vector_load %arg8[%get3A_453, %get3A_454] {strides = array<i32>} : memref<16x128xf32, #tpu.memory_space<vmem>>, vector<16xf32>,
      %add3A_456 = arith.addf %add3A_451, %get3A_455 : vector<16xf32>
      %get3A_457 = arith.constant 6 : i32
      %get3A_458 = arith.index_cast %get3A_457 : i32 to index
      %get3A_459 = arith.constant 80 : index
      %get3A_460 = tpu.vector_load %arg8[%get3A_458, %get3A_459] {strides = array<i32>} : memref<16x128xf32, #tpu.memory_space<vmem>>, vector<16xf32>,
      %add3A_461 = arith.addf %add3A_456, %get3A_460 : vector<16xf32>
      %get3A_462 = arith.constant 7 : i32
      %get3A_463 = arith.index_cast %get3A_462 : i32 to index
      %get3A_464 = arith.constant 80 : index
      %get3A_465 = tpu.vector_load %arg8[%get3A_463, %get3A_464] {strides = array<i32>} : memref<16x128xf32, #tpu.memory_space<vmem>>, vector<16xf32>,
      %add3A_466 = arith.addf %add3A_461, %get3A_465 : vector<16xf32>
      %get3A_467 = arith.constant 8 : i32
      %get3A_468 = arith.index_cast %get3A_467 : i32 to index
      %get3A_469 = arith.constant 80 : index
      %get3A_470 = tpu.vector_load %arg8[%get3A_468, %get3A_469] {strides = array<i32>} : memref<16x128xf32, #tpu.memory_space<vmem>>, vector<16xf32>,
      %add3A_471 = arith.addf %add3A_466, %get3A_470 : vector<16xf32>
      %get3A_472 = arith.constant 9 : i32
      %get3A_473 = arith.index_cast %get3A_472 : i32 to index
      %get3A_474 = arith.constant 80 : index
      %get3A_475 = tpu.vector_load %arg8[%get3A_473, %get3A_474] {strides = array<i32>} : memref<16x128xf32, #tpu.memory_space<vmem>>, vector<16xf32>,
      %add3A_476 = arith.addf %add3A_471, %get3A_475 : vector<16xf32>
      %get3A_477 = arith.constant 10 : i32
      %get3A_478 = arith.index_cast %get3A_477 : i32 to index
      %get3A_479 = arith.constant 80 : index
      %get3A_480 = tpu.vector_load %arg8[%get3A_478, %get3A_479] {strides = array<i32>} : memref<16x128xf32, #tpu.memory_space<vmem>>, vector<16xf32>,
      %add3A_481 = arith.addf %add3A_476, %get3A_480 : vector<16xf32>
      %get3A_482 = arith.constant 11 : i32
      %get3A_483 = arith.index_cast %get3A_482 : i32 to index
      %get3A_484 = arith.constant 80 : index
      %get3A_485 = tpu.vector_load %arg8[%get3A_483, %get3A_484] {strides = array<i32>} : memref<16x128xf32, #tpu.memory_space<vmem>>, vector<16xf32>,
      %add3A_486 = arith.addf %add3A_481, %get3A_485 : vector<16xf32>
      %get3A_487 = arith.constant 12 : i32
      %get3A_488 = arith.index_cast %get3A_487 : i32 to index
      %get3A_489 = arith.constant 80 : index
      %get3A_490 = tpu.vector_load %arg8[%get3A_488, %get3A_489] {strides = array<i32>} : memref<16x128xf32, #tpu.memory_space<vmem>>, vector<16xf32>,
      %add3A_491 = arith.addf %add3A_486, %get3A_490 : vector<16xf32>
      %get3A_492 = arith.constant 13 : i32
      %get3A_493 = arith.index_cast %get3A_492 : i32 to index
      %get3A_494 = arith.constant 80 : index
      %get3A_495 = tpu.vector_load %arg8[%get3A_493, %get3A_494] {strides = array<i32>} : memref<16x128xf32, #tpu.memory_space<vmem>>, vector<16xf32>,
      %add3A_496 = arith.addf %add3A_491, %get3A_495 : vector<16xf32>
      %get3A_497 = arith.constant 14 : i32
      %get3A_498 = arith.index_cast %get3A_497 : i32 to index
      %get3A_499 = arith.constant 80 : index
      %get3A_500 = tpu.vector_load %arg8[%get3A_498, %get3A_499] {strides = array<i32>} : memref<16x128xf32, #tpu.memory_space<vmem>>, vector<16xf32>,
      %add3A_501 = arith.addf %add3A_496, %get3A_500 : vector<16xf32>
      %get3A_502 = arith.constant 15 : i32
      %get3A_503 = arith.index_cast %get3A_502 : i32 to index
      %get3A_504 = arith.constant 80 : index
      %get3A_505 = tpu.vector_load %arg8[%get3A_503, %get3A_504] {strides = array<i32>} : memref<16x128xf32, #tpu.memory_space<vmem>>, vector<16xf32>,
      %add3A_506 = arith.addf %add3A_501, %get3A_505 : vector<16xf32>
      %swap3A_507 = arith.constant 80 : index
      %swap3A_508 = tpu.vector_load %arg9[%swap3A_507] {strides = array<i32>} : memref<128xf32, #tpu.memory_space<vmem>>, vector<16xf32>,
      tpu.vector_store %arg9[%swap3A_507], %add3A_506 {strides = array<i32>} : memref<128xf32, #tpu.memory_space<vmem>>, vector<16xf32>,
      %broadcast_in_dim3A_509 = arith.constant 0.000000e+00 : f32
      %broadcast_in_dim3A_510 = vector.broadcast %broadcast_in_dim3A_509 : f32 to vector<16xf32>
      %get3A_511 = arith.constant 0 : i32
      %get3A_512 = arith.index_cast %get3A_511 : i32 to index
      %get3A_513 = arith.constant 96 : index
      %get3A_514 = tpu.vector_load %arg8[%get3A_512, %get3A_513] {strides = array<i32>} : memref<16x128xf32, #tpu.memory_space<vmem>>, vector<16xf32>,
      %add3A_515 = arith.addf %broadcast_in_dim3A_510, %get3A_514 : vector<16xf32>
      %get3A_516 = arith.constant 1 : i32
      %get3A_517 = arith.index_cast %get3A_516 : i32 to index
      %get3A_518 = arith.constant 96 : index
      %get3A_519 = tpu.vector_load %arg8[%get3A_517, %get3A_518] {strides = array<i32>} : memref<16x128xf32, #tpu.memory_space<vmem>>, vector<16xf32>,
      %add3A_520 = arith.addf %add3A_515, %get3A_519 : vector<16xf32>
      %get3A_521 = arith.constant 2 : i32
      %get3A_522 = arith.index_cast %get3A_521 : i32 to index
      %get3A_523 = arith.constant 96 : index
      %get3A_524 = tpu.vector_load %arg8[%get3A_522, %get3A_523] {strides = array<i32>} : memref<16x128xf32, #tpu.memory_space<vmem>>, vector<16xf32>,
      %add3A_525 = arith.addf %add3A_520, %get3A_524 : vector<16xf32>
      %get3A_526 = arith.constant 3 : i32
      %get3A_527 = arith.index_cast %get3A_526 : i32 to index
      %get3A_528 = arith.constant 96 : index
      %get3A_529 = tpu.vector_load %arg8[%get3A_527, %get3A_528] {strides = array<i32>} : memref<16x128xf32, #tpu.memory_space<vmem>>, vector<16xf32>,
      %add3A_530 = arith.addf %add3A_525, %get3A_529 : vector<16xf32>
      %get3A_531 = arith.constant 4 : i32
      %get3A_532 = arith.index_cast %get3A_531 : i32 to index
      %get3A_533 = arith.constant 96 : index
      %get3A_534 = tpu.vector_load %arg8[%get3A_532, %get3A_533] {strides = array<i32>} : memref<16x128xf32, #tpu.memory_space<vmem>>, vector<16xf32>,
      %add3A_535 = arith.addf %add3A_530, %get3A_534 : vector<16xf32>
      %get3A_536 = arith.constant 5 : i32
      %get3A_537 = arith.index_cast %get3A_536 : i32 to index
      %get3A_538 = arith.constant 96 : index
      %get3A_539 = tpu.vector_load %arg8[%get3A_537, %get3A_538] {strides = array<i32>} : memref<16x128xf32, #tpu.memory_space<vmem>>, vector<16xf32>,
      %add3A_540 = arith.addf %add3A_535, %get3A_539 : vector<16xf32>
      %get3A_541 = arith.constant 6 : i32
      %get3A_542 = arith.index_cast %get3A_541 : i32 to index
      %get3A_543 = arith.constant 96 : index
      %get3A_544 = tpu.vector_load %arg8[%get3A_542, %get3A_543] {strides = array<i32>} : memref<16x128xf32, #tpu.memory_space<vmem>>, vector<16xf32>,
      %add3A_545 = arith.addf %add3A_540, %get3A_544 : vector<16xf32>
      %get3A_546 = arith.constant 7 : i32
      %get3A_547 = arith.index_cast %get3A_546 : i32 to index
      %get3A_548 = arith.constant 96 : index
      %get3A_549 = tpu.vector_load %arg8[%get3A_547, %get3A_548] {strides = array<i32>} : memref<16x128xf32, #tpu.memory_space<vmem>>, vector<16xf32>,
      %add3A_550 = arith.addf %add3A_545, %get3A_549 : vector<16xf32>
      %get3A_551 = arith.constant 8 : i32
      %get3A_552 = arith.index_cast %get3A_551 : i32 to index
      %get3A_553 = arith.constant 96 : index
      %get3A_554 = tpu.vector_load %arg8[%get3A_552, %get3A_553] {strides = array<i32>} : memref<16x128xf32, #tpu.memory_space<vmem>>, vector<16xf32>,
      %add3A_555 = arith.addf %add3A_550, %get3A_554 : vector<16xf32>
      %get3A_556 = arith.constant 9 : i32
      %get3A_557 = arith.index_cast %get3A_556 : i32 to index
      %get3A_558 = arith.constant 96 : index
      %get3A_559 = tpu.vector_load %arg8[%get3A_557, %get3A_558] {strides = array<i32>} : memref<16x128xf32, #tpu.memory_space<vmem>>, vector<16xf32>,
      %add3A_560 = arith.addf %add3A_555, %get3A_559 : vector<16xf32>
      %get3A_561 = arith.constant 10 : i32
      %get3A_562 = arith.index_cast %get3A_561 : i32 to index
      %get3A_563 = arith.constant 96 : index
      %get3A_564 = tpu.vector_load %arg8[%get3A_562, %get3A_563] {strides = array<i32>} : memref<16x128xf32, #tpu.memory_space<vmem>>, vector<16xf32>,
      %add3A_565 = arith.addf %add3A_560, %get3A_564 : vector<16xf32>
      %get3A_566 = arith.constant 11 : i32
      %get3A_567 = arith.index_cast %get3A_566 : i32 to index
      %get3A_568 = arith.constant 96 : index
      %get3A_569 = tpu.vector_load %arg8[%get3A_567, %get3A_568] {strides = array<i32>} : memref<16x128xf32, #tpu.memory_space<vmem>>, vector<16xf32>,
      %add3A_570 = arith.addf %add3A_565, %get3A_569 : vector<16xf32>
      %get3A_571 = arith.constant 12 : i32
      %get3A_572 = arith.index_cast %get3A_571 : i32 to index
      %get3A_573 = arith.constant 96 : index
      %get3A_574 = tpu.vector_load %arg8[%get3A_572, %get3A_573] {strides = array<i32>} : memref<16x128xf32, #tpu.memory_space<vmem>>, vector<16xf32>,
      %add3A_575 = arith.addf %add3A_570, %get3A_574 : vector<16xf32>
      %get3A_576 = arith.constant 13 : i32
      %get3A_577 = arith.index_cast %get3A_576 : i32 to index
      %get3A_578 = arith.constant 96 : index
      %get3A_579 = tpu.vector_load %arg8[%get3A_577, %get3A_578] {strides = array<i32>} : memref<16x128xf32, #tpu.memory_space<vmem>>, vector<16xf32>,
      %add3A_580 = arith.addf %add3A_575, %get3A_579 : vector<16xf32>
      %get3A_581 = arith.constant 14 : i32
      %get3A_582 = arith.index_cast %get3A_581 : i32 to index
      %get3A_583 = arith.constant 96 : index
      %get3A_584 = tpu.vector_load %arg8[%get3A_582, %get3A_583] {strides = array<i32>} : memref<16x128xf32, #tpu.memory_space<vmem>>, vector<16xf32>,
      %add3A_585 = arith.addf %add3A_580, %get3A_584 : vector<16xf32>
      %get3A_586 = arith.constant 15 : i32
      %get3A_587 = arith.index_cast %get3A_586 : i32 to index
      %get3A_588 = arith.constant 96 : index
      %get3A_589 = tpu.vector_load %arg8[%get3A_587, %get3A_588] {strides = array<i32>} : memref<16x128xf32, #tpu.memory_space<vmem>>, vector<16xf32>,
      %add3A_590 = arith.addf %add3A_585, %get3A_589 : vector<16xf32>
      %swap3A_591 = arith.constant 96 : index
      %swap3A_592 = tpu.vector_load %arg9[%swap3A_591] {strides = array<i32>} : memref<128xf32, #tpu.memory_space<vmem>>, vector<16xf32>,
      tpu.vector_store %arg9[%swap3A_591], %add3A_590 {strides = array<i32>} : memref<128xf32, #tpu.memory_space<vmem>>, vector<16xf32>,
      %broadcast_in_dim3A_593 = arith.constant 0.000000e+00 : f32
      %broadcast_in_dim3A_594 = vector.broadcast %broadcast_in_dim3A_593 : f32 to vector<16xf32>
      %get3A_595 = arith.constant 0 : i32
      %get3A_596 = arith.index_cast %get3A_595 : i32 to index
      %get3A_597 = arith.constant 112 : index
      %get3A_598 = tpu.vector_load %arg8[%get3A_596, %get3A_597] {strides = array<i32>} : memref<16x128xf32, #tpu.memory_space<vmem>>, vector<16xf32>,
      %add3A_599 = arith.addf %broadcast_in_dim3A_594, %get3A_598 : vector<16xf32>
      %get3A_600 = arith.constant 1 : i32
      %get3A_601 = arith.index_cast %get3A_600 : i32 to index
      %get3A_602 = arith.constant 112 : index
      %get3A_603 = tpu.vector_load %arg8[%get3A_601, %get3A_602] {strides = array<i32>} : memref<16x128xf32, #tpu.memory_space<vmem>>, vector<16xf32>,
      %add3A_604 = arith.addf %add3A_599, %get3A_603 : vector<16xf32>
      %get3A_605 = arith.constant 2 : i32
      %get3A_606 = arith.index_cast %get3A_605 : i32 to index
      %get3A_607 = arith.constant 112 : index
      %get3A_608 = tpu.vector_load %arg8[%get3A_606, %get3A_607] {strides = array<i32>} : memref<16x128xf32, #tpu.memory_space<vmem>>, vector<16xf32>,
      %add3A_609 = arith.addf %add3A_604, %get3A_608 : vector<16xf32>
      %get3A_610 = arith.constant 3 : i32
      %get3A_611 = arith.index_cast %get3A_610 : i32 to index
      %get3A_612 = arith.constant 112 : index
      %get3A_613 = tpu.vector_load %arg8[%get3A_611, %get3A_612] {strides = array<i32>} : memref<16x128xf32, #tpu.memory_space<vmem>>, vector<16xf32>,
      %add3A_614 = arith.addf %add3A_609, %get3A_613 : vector<16xf32>
      %get3A_615 = arith.constant 4 : i32
      %get3A_616 = arith.index_cast %get3A_615 : i32 to index
      %get3A_617 = arith.constant 112 : index
      %get3A_618 = tpu.vector_load %arg8[%get3A_616, %get3A_617] {strides = array<i32>} : memref<16x128xf32, #tpu.memory_space<vmem>>, vector<16xf32>,
      %add3A_619 = arith.addf %add3A_614, %get3A_618 : vector<16xf32>
      %get3A_620 = arith.constant 5 : i32
      %get3A_621 = arith.index_cast %get3A_620 : i32 to index
      %get3A_622 = arith.constant 112 : index
      %get3A_623 = tpu.vector_load %arg8[%get3A_621, %get3A_622] {strides = array<i32>} : memref<16x128xf32, #tpu.memory_space<vmem>>, vector<16xf32>,
      %add3A_624 = arith.addf %add3A_619, %get3A_623 : vector<16xf32>
      %get3A_625 = arith.constant 6 : i32
      %get3A_626 = arith.index_cast %get3A_625 : i32 to index
      %get3A_627 = arith.constant 112 : index
      %get3A_628 = tpu.vector_load %arg8[%get3A_626, %get3A_627] {strides = array<i32>} : memref<16x128xf32, #tpu.memory_space<vmem>>, vector<16xf32>,
      %add3A_629 = arith.addf %add3A_624, %get3A_628 : vector<16xf32>
      %get3A_630 = arith.constant 7 : i32
      %get3A_631 = arith.index_cast %get3A_630 : i32 to index
      %get3A_632 = arith.constant 112 : index
      %get3A_633 = tpu.vector_load %arg8[%get3A_631, %get3A_632] {strides = array<i32>} : memref<16x128xf32, #tpu.memory_space<vmem>>, vector<16xf32>,
      %add3A_634 = arith.addf %add3A_629, %get3A_633 : vector<16xf32>
      %get3A_635 = arith.constant 8 : i32
      %get3A_636 = arith.index_cast %get3A_635 : i32 to index
      %get3A_637 = arith.constant 112 : index
      %get3A_638 = tpu.vector_load %arg8[%get3A_636, %get3A_637] {strides = array<i32>} : memref<16x128xf32, #tpu.memory_space<vmem>>, vector<16xf32>,
      %add3A_639 = arith.addf %add3A_634, %get3A_638 : vector<16xf32>
      %get3A_640 = arith.constant 9 : i32
      %get3A_641 = arith.index_cast %get3A_640 : i32 to index
      %get3A_642 = arith.constant 112 : index
      %get3A_643 = tpu.vector_load %arg8[%get3A_641, %get3A_642] {strides = array<i32>} : memref<16x128xf32, #tpu.memory_space<vmem>>, vector<16xf32>,
      %add3A_644 = arith.addf %add3A_639, %get3A_643 : vector<16xf32>
      %get3A_645 = arith.constant 10 : i32
      %get3A_646 = arith.index_cast %get3A_645 : i32 to index
      %get3A_647 = arith.constant 112 : index
      %get3A_648 = tpu.vector_load %arg8[%get3A_646, %get3A_647] {strides = array<i32>} : memref<16x128xf32, #tpu.memory_space<vmem>>, vector<16xf32>,
      %add3A_649 = arith.addf %add3A_644, %get3A_648 : vector<16xf32>
      %get3A_650 = arith.constant 11 : i32
      %get3A_651 = arith.index_cast %get3A_650 : i32 to index
      %get3A_652 = arith.constant 112 : index
      %get3A_653 = tpu.vector_load %arg8[%get3A_651, %get3A_652] {strides = array<i32>} : memref<16x128xf32, #tpu.memory_space<vmem>>, vector<16xf32>,
      %add3A_654 = arith.addf %add3A_649, %get3A_653 : vector<16xf32>
      %get3A_655 = arith.constant 12 : i32
      %get3A_656 = arith.index_cast %get3A_655 : i32 to index
      %get3A_657 = arith.constant 112 : index
      %get3A_658 = tpu.vector_load %arg8[%get3A_656, %get3A_657] {strides = array<i32>} : memref<16x128xf32, #tpu.memory_space<vmem>>, vector<16xf32>,
      %add3A_659 = arith.addf %add3A_654, %get3A_658 : vector<16xf32>
      %get3A_660 = arith.constant 13 : i32
      %get3A_661 = arith.index_cast %get3A_660 : i32 to index
      %get3A_662 = arith.constant 112 : index
      %get3A_663 = tpu.vector_load %arg8[%get3A_661, %get3A_662] {strides = array<i32>} : memref<16x128xf32, #tpu.memory_space<vmem>>, vector<16xf32>,
      %add3A_664 = arith.addf %add3A_659, %get3A_663 : vector<16xf32>
      %get3A_665 = arith.constant 14 : i32
      %get3A_666 = arith.index_cast %get3A_665 : i32 to index
      %get3A_667 = arith.constant 112 : index
      %get3A_668 = tpu.vector_load %arg8[%get3A_666, %get3A_667] {strides = array<i32>} : memref<16x128xf32, #tpu.memory_space<vmem>>, vector<16xf32>,
      %add3A_669 = arith.addf %add3A_664, %get3A_668 : vector<16xf32>
      %get3A_670 = arith.constant 15 : i32
      %get3A_671 = arith.index_cast %get3A_670 : i32 to index
      %get3A_672 = arith.constant 112 : index
      %get3A_673 = tpu.vector_load %arg8[%get3A_671, %get3A_672] {strides = array<i32>} : memref<16x128xf32, #tpu.memory_space<vmem>>, vector<16xf32>,
      %add3A_674 = arith.addf %add3A_669, %get3A_673 : vector<16xf32>
      %swap3A_675 = arith.constant 112 : index
      %swap3A_676 = tpu.vector_load %arg9[%swap3A_675] {strides = array<i32>} : memref<128xf32, #tpu.memory_space<vmem>>, vector<16xf32>,
      tpu.vector_store %arg9[%swap3A_675], %add3A_674 {strides = array<i32>} : memref<128xf32, #tpu.memory_space<vmem>>, vector<16xf32>,
      "tpu.region"() ({
        %run_scoped3A = tpu.sem_alloc : memref<!tpu.dma_semaphore, #tpu.memory_space<semaphore_mem>>
        %dma_start3A = tpu.memref_slice %arg4[%mul3A_8] : memref<1024xf32, #tpu.memory_space<hbm>> -> memref<128xf32, #tpu.memory_space<hbm>>
        %dma_start3A_677 = tpu.memref_slice %arg4[%mul3A_8] : memref<1024xf32, #tpu.memory_space<hbm>> -> memref<128xf32, #tpu.memory_space<hbm>>
        tpu.enqueue_dma source(%arg9 : memref<128xf32, #tpu.memory_space<vmem>>) target(%dma_start3A_677 : memref<128xf32, #tpu.memory_space<hbm>>) target_semaphore(%run_scoped3A : memref<!tpu.dma_semaphore, #tpu.memory_space<semaphore_mem>>)
        %dma_wait3A = tpu.memref_slice %arg4[%mul3A_8] : memref<1024xf32, #tpu.memory_space<hbm>> -> memref<128xf32, #tpu.memory_space<hbm>>
        %dma_wait3A_678 = tpu.memref_slice %arg4[%mul3A_8] : memref<1024xf32, #tpu.memory_space<hbm>> -> memref<128xf32, #tpu.memory_space<hbm>>
        tpu.wait_dma2 semaphore(%run_scoped3A : memref<!tpu.dma_semaphore, #tpu.memory_space<semaphore_mem>>) src(%arg9 : memref<128xf32, #tpu.memory_space<vmem>>) dst(%dma_wait3A_678 : memref<128xf32, #tpu.memory_space<hbm>>)
        tpu.yield
      }) : () -> ()
    } else {
    }
    return
  }
}

module attributes {stable_mosaic.version = 14 : i64} {
  func.func @_mlp_body(%arg0: i32, %arg1: memref<3072x256xf32, #tpu.memory_space<vmem>>, %arg2: memref<3072x256xf32, #tpu.memory_space<vmem>>, %arg3: memref<3x3072xf32, #tpu.memory_space<vmem>>, %arg4: memref<256x512xbf16, #tpu.memory_space<vmem>>, %arg5: memref<256x512xbf16, #tpu.memory_space<vmem>>, %arg6: memref<3x512xbf16, #tpu.memory_space<vmem>>, %arg7: memref<1x512xf32, #tpu.memory_space<vmem>>, %arg8: memref<1x512xf32, #tpu.memory_space<vmem>>, %arg9: memref<1x1xf32, #tpu.memory_space<vmem>>, %arg10: memref<3072xf32, #tpu.memory_space<vmem>>) attributes {dimension_semantics = [#tpu.dimension_semantics<arbitrary>], iteration_bounds = array<i64: 33>, scalar_prefetch = 0 : i64, scratch_operands = 0 : i64, tpu.core_type = #tpu.core_type<tc>, window_params = [{transform_indices = @transform_0, window_bounds = array<i64: 3072, 256>}, {transform_indices = @transform_1, window_bounds = array<i64: 3072, 256>}, {transform_indices = @transform_2, window_bounds = array<i64: 3, 3072>}, {transform_indices = @transform_3, window_bounds = array<i64: 256, 512>}, {transform_indices = @transform_4, window_bounds = array<i64: 256, 512>}, {pipeline_mode = #tpu.pipeline_mode<synchronous>, transform_indices = @transform_5, window_bounds = array<i64: 3, 512>}, {pipeline_mode = #tpu.pipeline_mode<synchronous>, transform_indices = @transform_6, window_bounds = array<i64: 1, 512>}, {pipeline_mode = #tpu.pipeline_mode<synchronous>, transform_indices = @transform_7, window_bounds = array<i64: 1, 512>}, {pipeline_mode = #tpu.pipeline_mode<synchronous>, transform_indices = @transform_8, window_bounds = array<i64: 1, 1>}, {transform_indices = @transform_9, window_bounds = array<i64: 3072>}]} {
    %get3A = arith.constant 0 : index
    %get3A_0 = arith.constant 0 : index
    %get3A_1 = vector.load %arg1[%get3A, %get3A_0] : memref<3072x256xf32, #tpu.memory_space<vmem>>, vector<3072x256xf32>
    %convert_element_type3A = arith.truncf %get3A_1 : vector<3072x256xf32> to vector<3072x256xbf16>
    %get3A_2 = arith.constant 0 : index
    %get3A_3 = arith.constant 0 : index
    %get3A_4 = vector.load %arg4[%get3A_2, %get3A_3] : memref<256x512xbf16, #tpu.memory_space<vmem>>, vector<256x512xbf16>
    %dot_general3A = arith.constant dense<0.000000e+00> : vector<3072x512xf32>
    %dot_general3A_5 = tpu.matmul %convert_element_type3A, %get3A_4, %dot_general3A {dimension_numbers = #tpu.dot_dimension_numbers<[1], [0], [0], [1], [0, 0, 1, 1], [], []>, transpose_lhs_hint = false} : vector<3072x256xbf16>, vector<256x512xbf16>, vector<3072x512xf32> -> vector<3072x512xf32>
    %get3A_6 = arith.constant 0 : index
    %get3A_7 = arith.constant 0 : index
    %get3A_8 = vector.load %arg2[%get3A_6, %get3A_7] : memref<3072x256xf32, #tpu.memory_space<vmem>>, vector<3072x256xf32>
    %convert_element_type3A_9 = arith.truncf %get3A_8 : vector<3072x256xf32> to vector<3072x256xbf16>
    %get3A_10 = arith.constant 0 : index
    %get3A_11 = arith.constant 0 : index
    %get3A_12 = vector.load %arg5[%get3A_10, %get3A_11] : memref<256x512xbf16, #tpu.memory_space<vmem>>, vector<256x512xbf16>
    %dot_general3A_13 = arith.constant dense<0.000000e+00> : vector<3072x512xf32>
    %dot_general3A_14 = tpu.matmul %convert_element_type3A_9, %get3A_12, %dot_general3A_13 {dimension_numbers = #tpu.dot_dimension_numbers<[1], [0], [0], [1], [0, 0, 1, 1], [], []>, transpose_lhs_hint = false} : vector<3072x256xbf16>, vector<256x512xbf16>, vector<3072x512xf32> -> vector<3072x512xf32>
    %add3A = arith.addf %dot_general3A_5, %dot_general3A_14 : vector<3072x512xf32>
    %get3A_15 = arith.constant 0 : index
    %get3A_16 = arith.constant 0 : index
    %get3A_17 = vector.load %arg3[%get3A_15, %get3A_16] : memref<3x3072xf32, #tpu.memory_space<vmem>>, vector<3x3072xf32>
    %convert_element_type3A_18 = arith.truncf %get3A_17 : vector<3x3072xf32> to vector<3x3072xbf16>
    %get3A_19 = arith.constant 0 : index
    %get3A_20 = arith.constant 0 : index
    %get3A_21 = vector.load %arg6[%get3A_19, %get3A_20] : memref<3x512xbf16, #tpu.memory_space<vmem>>, vector<3x512xbf16>
    %dot_general3A_22 = arith.constant dense<0.000000e+00> : vector<3072x512xf32>
    %dot_general3A_23 = tpu.matmul %convert_element_type3A_18, %get3A_21, %dot_general3A_22 {dimension_numbers = #tpu.dot_dimension_numbers<[0], [0], [1], [1], [0, 1, 1, 1], [], []>, transpose_lhs_hint = false} : vector<3x3072xbf16>, vector<3x512xbf16>, vector<3072x512xf32> -> vector<3072x512xf32>
    %add3A_24 = arith.addf %add3A, %dot_general3A_23 : vector<3072x512xf32>
    %get3A_25 = arith.constant 0 : index
    %get3A_26 = arith.constant 0 : index
    %get3A_27 = vector.load %arg7[%get3A_25, %get3A_26] : memref<1x512xf32, #tpu.memory_space<vmem>>, vector<1x512xf32>
    %add3A_28 = vector.broadcast %get3A_27 : vector<1x512xf32> to vector<3072x512xf32>
    %add3A_29 = arith.addf %add3A_24, %add3A_28 : vector<3072x512xf32>
    %tanh3A = math.tanh %add3A_29 : vector<3072x512xf32>
    %get3A_30 = arith.constant 0 : index
    %get3A_31 = arith.constant 0 : index
    %get3A_32 = vector.load %arg8[%get3A_30, %get3A_31] : memref<1x512xf32, #tpu.memory_space<vmem>>, vector<1x512xf32>
    %dot_general3A_33 = arith.constant dense<0.000000e+00> : vector<1x3072xf32>
    %dot_general3A_34 = tpu.matmul %get3A_32, %tanh3A, %dot_general3A_33 {dimension_numbers = #tpu.dot_dimension_numbers<[1], [1], [0], [0], [0, 0, 1, 0], [], []>, transpose_lhs_hint = false} : vector<1x512xf32>, vector<3072x512xf32>, vector<1x3072xf32> -> vector<1x3072xf32>
    %get3A_35 = arith.constant 0 : index
    %get3A_36 = arith.constant 0 : index
    %get3A_37 = vector.load %arg9[%get3A_35, %get3A_36] : memref<1x1xf32, #tpu.memory_space<vmem>>, vector<1x1xf32>
    %get3A_38 = vector.extract %get3A_37[0, 0] : f32 from vector<1x1xf32>
    %add3A_39 = vector.broadcast %get3A_38 : f32 to vector<1x3072xf32>
    %add3A_40 = arith.addf %dot_general3A_34, %add3A_39 : vector<1x3072xf32>
    %reshape3A = vector.shape_cast %add3A_40 : vector<1x3072xf32> to vector<3072xf32>
    %swap3A = arith.constant 0 : index
    %swap3A_41 = vector.load %arg10[%swap3A] : memref<3072xf32, #tpu.memory_space<vmem>>, vector<3072xf32>
    tpu.vector_store %arg10[%swap3A], %reshape3A {strides = array<i32>} : memref<3072xf32, #tpu.memory_space<vmem>>, vector<3072xf32>,
    return
  }
  func.func @transform_0(%arg0: i32) -> (i32, i32) {
    %c0_i32 = arith.constant 0 : i32
    %c0_i32_0 = arith.constant 0 : i32
    return %arg0, %c0_i32 : i32, i32
  }
  func.func @transform_1(%arg0: i32) -> (i32, i32) {
    %c1_i32 = arith.constant 1 : i32
    %c0_i32 = arith.constant 0 : i32
    return %arg0, %c1_i32 : i32, i32
  }
  func.func @transform_2(%arg0: i32) -> (i32, i32) {
    %c0_i32 = arith.constant 0 : i32
    %c0_i32_0 = arith.constant 0 : i32
    return %c0_i32, %arg0 : i32, i32
  }
  func.func @transform_3(%arg0: i32) -> (i32, i32) {
    %c0_i32 = arith.constant 0 : i32
    %c0_i32_0 = arith.constant 0 : i32
    %c0_i32_1 = arith.constant 0 : i32
    return %c0_i32, %c0_i32_0 : i32, i32
  }
  func.func @transform_4(%arg0: i32) -> (i32, i32) {
    %c1_i32 = arith.constant 1 : i32
    %c0_i32 = arith.constant 0 : i32
    %c0_i32_0 = arith.constant 0 : i32
    return %c1_i32, %c0_i32 : i32, i32
  }
  func.func @transform_5(%arg0: i32) -> (i32, i32) {
    %c0_i32 = arith.constant 0 : i32
    %c0_i32_0 = arith.constant 0 : i32
    %c0_i32_1 = arith.constant 0 : i32
    return %c0_i32, %c0_i32_0 : i32, i32
  }
  func.func @transform_6(%arg0: i32) -> (i32, i32) {
    %c0_i32 = arith.constant 0 : i32
    %c0_i32_0 = arith.constant 0 : i32
    %c0_i32_1 = arith.constant 0 : i32
    return %c0_i32, %c0_i32_0 : i32, i32
  }
  func.func @transform_7(%arg0: i32) -> (i32, i32) {
    %c0_i32 = arith.constant 0 : i32
    %c0_i32_0 = arith.constant 0 : i32
    %c0_i32_1 = arith.constant 0 : i32
    return %c0_i32, %c0_i32_0 : i32, i32
  }
  func.func @transform_8(%arg0: i32) -> (i32, i32) {
    %c0_i32 = arith.constant 0 : i32
    %c0_i32_0 = arith.constant 0 : i32
    %c0_i32_1 = arith.constant 0 : i32
    return %c0_i32, %c0_i32_0 : i32, i32
  }
  func.func @transform_9(%arg0: i32) -> i32 {
    %c0_i32 = arith.constant 0 : i32
    return %arg0 : i32
  }
}

</mosaic_0001>

<sc_bundles>
// kernel: kernel.4.cloned.1.call-start
scs
__scs_entry_jumppad:
0x0: {  	(pc) =	sbr.rel $0x88, $3  }
0x1: {  	(tag) =	ssettag $0x0;
	lr =	simm.s32 $0x1  }
0x2: {  	[smem:$0x3F9A] =	sst lr;
	_ =	strace $0xD0000000  }
0x3: {  	_ = 	snop  }
0x4: {  	_ = 	snop  }
0x5: {  	_ = 	snop  }
0x6: {  	_ = 	snop  }
0x7: {  	_ = 	snop  }
__scs_overlays_trampoline_lowered:
0x8: {  	[smem:$0x3FA9] =	sst s0  }
0x9: {  	[smem:$0x3FAA] =	sst s1  }
0xa: {  	[smem:$0x3FAB] =	sst s2  }
0xb: {  	[smem:$0x3FAC] =	sst s3  }
0xc: {  	[smem:$0x3FAD] =	sst s4  }
0xd: {  	[smem:$0x3FAE] =	sst s5  }
0xe: {  	[smem:$0x3FAF] =	sst s6  }
0xf: {  	[smem:$0x3FB0] =	sst s7  }
0x10: {  	[smem:$0x3FB1] =	sst s8  }
0x11: {  	[smem:$0x3FB2] =	sst s9;
	s0 =	simm.s32 @!p0 $0x0  }
0x12: {  	s1 =	sld [smem:$0x3F98];
	s0 =	simm.s32 @p0 $0x1  }
0x13: {  	[smem:$0x3FB3] =	sst s0;
	s0 =	simm.s32 @!p1 $0x0  }
0x14: {  	s2 =	sld [smem:$0x3F97];
	s0 =	simm.s32 @p1 $0x1  }
0x15: {  	[smem:$0x3FB4] =	sst s0;
	s0 =	simm.s32 @!p2 $0x0  }
0x16: {  	s3 =	sld [smem:$0x3FDB];
	s0 =	simm.s32 @p2 $0x1  }
0x17: {  	s4 =	simm.s32 $0x1BF5;
	[smem:$0x3FB6] =	sst s0  }
0x18: {  	s0 =	sld [smem:$0x3F99];
	_ =	swait.ge [sflag:s4], $0x0  }
0x19: {  	s7 =	sld [smem:$0x3F9A]  }
0x1a: {  	s8 =	sadd.s32 $0xFFFFE003, lr  }
0x1b: {  	s9 =	sadd.s32 $0xFFFFFEF7, lr;
	s5 =	simm.s32 $0xFFFFFFFF;
	p2 =	slt.u32 s8, $0xFFFFF086  }
0x1c: {  	p1 =	slt.u32 s9, $0xF7A;
	s5 =	simm.s32 @!p2 $0x0  }
0x1d: {  	s5 =	simm.s32 @p1 $0x1;
	p0 =	seq.s32 s7, s2  }
0x1e: {  	s7 =	smul.u32 @!p0 $0xF7A, s2;
	p2 =	seq.s32 @!p0 s5, $0x0  }
0x1f: {  	s9 =	smul.u32 $0xF7A, s1;
	s8 =	simm.s32 @!p0 $0x1BF5;
	p2 =	por !p2, p0  }
0x20: {  	[sflag:s8] =	ssyncset.s32 @!p0 $0xFFFFF086;
	s6 =	sadd.s32 @!p0 s3, s7;
	s7 =	simm.s32 @!p0 $0x108  }
0x21: {  	s3 =	sadd.s32 s3, s9;
	s6 =	sadd.s32 @!p0 $0x88, s6;
	s7 =	simm.s32 @p2 $0x1082  }
0x22: {  	[simem:s7], [sflag:s8] =	dma.local @!p0 [hbm:s6], $0xF7A  }
0x23: {  	s9 =	sor.u32 $0xD0000000, s2;
	s6 =	simm.s32 $0x108;
	_ =	swait.ge @!p0 [sflag:s8], $0x0  }
0x24: {  	s3 =	sadd.s32 $0x88, s3;
	s6 =	simm.s32 @!p1 $0x1082;
	[sflag:s4] =	ssyncset.s32 $0xFFFFF086  }
0x25: {  	[simem:s6], [sflag:s4] =	dma.local [hbm:s3], $0xF7A  }
0x26: {  	[smem:$0x3F9A] =	sst s1;
	(tag) =	ssettag s2;
	_ =	strace s9  }
0x27: {  	s1 =	sld [smem:$0x3FAA]  }
0x28: {  	s2 =	sld [smem:$0x3FAB]  }
0x29: {  	s4 =	sld [smem:$0x3FAD]  }
0x2a: {  	p0 =	seq.s32 s5, $0x0;
	s5 =	sld [smem:$0x3FAE]  }
0x2b: {  	s6 =	sld [smem:$0x3FAF]  }
0x2c: {  	s7 =	sld [smem:$0x3FB0]  }
0x2d: {  	s3 =	simm.s32 $0x108;
	s8 =	sld [smem:$0x3FB1]  }
0x2e: {  	s3 =	simm.s32 @!p0 $0x1082;
	s9 =	sld [smem:$0x3FB2]  }
0x2f: {  	lr =	sadd.s32 s0, s3;
	s0 =	sld [smem:$0x3FA9]  }
0x30: {  	s3 =	sld [smem:$0x3FAC]  }
0x31: {  	[smem:$0x3FB5] =	sst s10  }
0x32: {  	s10 =	sld [smem:$0x3FB3];
	_ =	sdelay $0x3  }
0x33: {  	p0 =	seq.s32 s10, $0x1;
	s10 =	sld [smem:$0x3FB5];
	_ =	sdelay $0x3  }
0x34: {  	[smem:$0x3FB5] =	sst s10  }
0x35: {  	s10 =	sld [smem:$0x3FB4];
	_ =	sdelay $0x3  }
0x36: {  	p1 =	seq.s32 s10, $0x1;
	s10 =	sld [smem:$0x3FB5];
	_ =	sdelay $0x3  }
0x37: {  	[smem:$0x3FB5] =	sst s10  }
0x38: {  	s10 =	sld [smem:$0x3FB6]  }
0x39: {  	_ = 	snop;
	(pc) =	sbr.ind lr, $3  }
0x3a: {  	_ = 	snop  }
0x3b: {  	_ = 	snop  }
0x3c: {  	p2 =	seq.s32 s10, $0x1;
	s10 =	sld [smem:$0x3FB5]  }
0x3d: {  	_ =	shalt  }
0x3e: {  	_ =	shalt  }
0x3f: {  	_ =	shalt  }
0x40: {  	_ =	shalt  }
0x41: {  	_ =	shalt  }
0x42: {  	_ =	shalt  }
0x43: {  	_ =	shalt  }
0x44: {  	_ =	shalt  }
0x45: {  	_ =	shalt  }
0x46: {  	_ =	shalt  }
0x47: {  	_ =	shalt  }
0x48: {  	_ =	shalt  }
0x49: {  	_ =	shalt  }
0x4a: {  	_ =	shalt  }
0x4b: {  	_ =	shalt  }
0x4c: {  	_ =	shalt  }
0x4d: {  	_ =	shalt  }
0x4e: {  	_ =	shalt  }
0x4f: {  	_ =	shalt  }
0x50: {  	_ =	shalt  }
0x51: {  	_ =	shalt  }
0x52: {  	_ =	shalt  }
0x53: {  	_ =	shalt  }
0x54: {  	_ =	shalt  }
0x55: {  	_ =	shalt  }
0x56: {  	_ =	shalt  }
0x57: {  	_ =	shalt  }
0x58: {  	_ =	shalt  }
0x59: {  	_ =	shalt  }
0x5a: {  	_ =	shalt  }
0x5b: {  	_ =	shalt  }
0x5c: {  	_ =	shalt  }
0x5d: {  	_ =	shalt  }
0x5e: {  	_ =	shalt  }
0x5f: {  	_ =	shalt  }
0x60: {  	_ =	shalt  }
0x61: {  	_ =	shalt  }
0x62: {  	_ =	shalt  }
0x63: {  	_ =	shalt  }
0x64: {  	_ =	shalt  }
0x65: {  	_ =	shalt  }
0x66: {  	_ =	shalt  }
0x67: {  	_ =	shalt  }
0x68: {  	_ =	shalt  }
0x69: {  	_ =	shalt  }
0x6a: {  	_ =	shalt  }
0x6b: {  	_ =	shalt  }
0x6c: {  	_ =	shalt  }
0x6d: {  	_ =	shalt  }
0x6e: {  	_ =	shalt  }
0x6f: {  	_ =	shalt  }
0x70: {  	_ =	shalt  }
0x71: {  	_ =	shalt  }
0x72: {  	_ =	shalt  }
0x73: {  	_ =	shalt  }
0x74: {  	_ =	shalt  }
0x75: {  	_ =	shalt  }
0x76: {  	_ =	shalt  }
0x77: {  	_ =	shalt  }
0x78: {  	_ =	shalt  }
0x79: {  	_ =	shalt  }
0x7a: {  	_ =	shalt  }
0x7b: {  	_ =	shalt  }
0x7c: {  	_ =	shalt  }
0x7d: {  	_ =	shalt  }
0x7e: {  	_ =	shalt  }
0x7f: {  	_ =	shalt  }
0x80: {  	_ =	shalt  }
0x81: {  	_ =	shalt  }
0x82: {  	_ =	shalt  }
0x83: {  	_ =	shalt  }
0x84: {  	_ =	shalt  }
0x85: {  	_ =	shalt  }
0x86: {  	_ =	shalt  }
0x87: {  	_ =	shalt  }
.Lfunc_end0:
.L_simem_size_0:
called_computation_lowered:
.L_overlay_start_0:
0x88: {  	s2 =	sld [smem:$0x3FD9]  }
0x89: {  	s3 =	sld [smem:$0x3FFE];
	_ =	sdelay $0x1  }
0x8a: {  	s1 =	srdreg.scid  }
0x8b: {  	s0 =	sand.u32 $0x1, s1  }
0x8c: {  	s15 =	sshll.u32 s0, $0xA;
	s2 =	sadd.s32 s3, s2  }
0x8d: {  	s2 =	sadd.s32 s2, s15  }
0x8e: {  	[smem:$0x3FC1] =	sst s2  }
0x8f: {  	_ = 	snop  }
0x90: {  	s2 =	sld [smem:$0x3FD0];
	_ =	sdelay $0x2  }
0x91: {  	s4 =	simm.s32 $0xA;
	s5 =	simm.s32 $0x10;
	s16 =	sld [smem:$0x3FC7]  }
0x92: {  	[smem:s5], [sflag:s4] =	dma.local [hbm:s2], $0x1  }
0x93: {  	_ =	swait.eq [sflag:s4], $0x1  }
0x94: {  	[sflag:s4] =	ssyncset.done $0x0  }
0x95: {  	s17 =	sld [smem:$0x10];
	[sflag:s4] =	ssyncadd.s32 $0xFFFFFFFF  }
0x96: {  	s18 =	sld [smem:$0x11];
	(tm) =	ssettm $0x1  }
0x97: {  	s19 =	sld [smem:$0x3FFB];
	_ =	sdelay $0x3  }
0x98: {  	_ =	strace s19  }
0x99: {  	s5 =	sld [smem:$0x3FFC];
	_ =	sdelay $0x3  }
0x9a: {  	_ =	strace s5  }
0x9b: {  	s5 =	sld [smem:$0x3FFD];
	_ =	sdelay $0x3  }
0x9c: {  	_ =	strace s5  }
0x9d: {  	_ =	strace $0x8FFFFFFF  }
0x9e: {  	s20 =	sld [smem:$0x3FDB];
	_ =	sdelay $0x1  }
0x9f: {  	s6 =	simm.s32 $_scs_section_size  }
0xa0: {  	s7 =	simm.s32 $_size__tile_overlayer_lowered;
	s8 =	simm.s32 $_tile_overlayer_lowered  }
0xa1: {  	s23 =	simm.s32 $0x1BFF;
	s22 =	sshll.u32 s8, $0x1;
	s5 =	sadd.s32 s6, s20  }
0xa2: {  	s9 =	simm.s32 $0x0;
	s21 =	sshll.u32 s7, $0x1;
	s7 =	sadd.s32 s22, s5  }
0xa3: {  	[timem:s9], [sflag:s23] =	dma.local [hbm:s7], s21  }
0xa4: {  	_ =	swait.ge [sflag:s23], s21  }
0xa5: {  	s6 =	ssub.s32 $0x0, s21;
	[sflag:s23] =	ssyncset.done $0x0  }
0xa6: {  	[sflag:s23] =	ssyncadd.s32 s6;
	_ =	sdelay $0x1  }
0xa7: {  	s24 =	simm.s32 $0x1B8B  }
0xa8: {  	_ =	swait.ge [sflag:s24], $0x1  }
0xa9: {  	[sflag:s24] =	ssyncset.done $0x0  }
0xaa: {  	s25 =	simm.s32 $0x1B8E;
	[sflag:s24] =	ssyncadd.s32 $0xFFFFFFFF  }
0xab: {  	s26 =	simm.s32 $execute0_lowered;
	[smem:$0x3FD2] =	sst s25  }
0xac: {  	s6 =	sshll.u32 s26, $0x1;
	_ =	strace $0x80000046;
	[dreg:$0x1] =	wrdreg $0xFFFFFFFF  }
0xad: {  	s28 =	simm.s32 $_size_execute0_lowered;
	s5 =	sadd.s32 s5, s6;
	[dreg:$0x0] =	wrdreg $0x0  }
0xae: {  	s6 =	sshll.u32 s28, $0x1;
	[dreg:$0x2] =	wrdreg s5  }
0xaf: {  	[dreg:$0x3] =	wrdreg s6  }
0xb0: {  	[dreg:$0x4] =	wrdreg $0xC0  }
0xb1: {  	_ =	task [dreg:s9], $0x5FFFF  }
0xb2: {  	[dreg:$0x1] =	wrdreg $0xFFFFFFFF  }
0xb3: {  	[dreg:$0x0] =	wrdreg $0x60  }
0xb4: {  	[dreg:$0x2] =	wrdreg s17  }
0xb5: {  	[dreg:$0x3] =	wrdreg s16  }
0xb6: {  	[dreg:$0x4] =	wrdreg s18  }
0xb7: {  	[dreg:$0x5] =	wrdreg $0x3E000  }
0xb8: {  	[dreg:$0x6] =	wrdreg $0x9  }
0xb9: {  	_ =	task.clear_ibuf [dreg:s9], $0x7FFFF;
	_ =	strace $0x90000046  }
0xba: {  	s29 =	simm.s32 $0x9;
	_ =	strace $0x80000048  }
0xbb: {  	_ =	swait.ge [sflag:s29], $0x1  }
0xbc: {  	[sflag:s29] =	ssyncadd.s32 $0xFFFFFFFF  }
0xbd: {  	_ =	strace $0x90000048  }
0xbe: {  	_ =	sfence  }
0xbf: {  	s30 =	sld [smem:$0x0];
	_ =	sdelay $0x2  }
0xc0: {  	s31 =	sshll.u32 s1, $0xD;
	s1 =	sshrl.u32 s1, $0x2  }
0xc1: {  	s3 =	sand.u32 $0x4000, s31;
	s1 =	sadd.s32 s1, s30  }
0xc2: {  	s0 =	sor.u32 s3, s0;
	s1 =	sshll.u32 s1, $0x11  }
0xc3: {  	s0 =	sor.u32 s1, s0  }
0xc4: {  	s0 =	sadd.s32 $0x8F2B, s0  }
0xc5: {  	[sflag:s0] =	ssyncadd.remote.s32 $0x1  }
0xc6: {  	_ =	sfence.sel $0xFFFF  }
0xc7: {  	[dreg:$0x0] =	wrdreg $0xFFFFFFFF;
	(pc) =	sbr.abs _section_cstart, $3  }
0xc8: {  	[dreg:$0x1] =	wrdreg $0xFFFFFFFF  }
0xc9: {  	_ =	task.clear_ibuf [dreg:s9], $0x2FFFF;
	_ =	strace $0x9FFFFFFF  }
0xca: {  	(tm) =	ssettm $0x7FFFFFFF  }
0xcb: {  	_ =	shalt  }
tec
execute0_lowered:
.L_overlay_start_1:
0x0: {  	(tag) =	ssettag $0x1  }
0x1: {  	s5 =	rddreg [dreg:$0x0]  }
0x2: {  	s6 =	rddreg [dreg:$0x1]  }
0x3: {  	s13 =	rddreg [dreg:$0x2]  }
0x4: {  	s12 =	rddreg [dreg:$0x3]  }
0x5: {  	s1 =	srdreg.scid;
	s0 =	rddreg [dreg:$0x4]  }
0x6: {  	s2 =	simm.s32 $0x0;
	s8 =	simm.s32 $0x181;
	s18 =	simm.s32 $0x1  }
0x7: {  	s19 =	simm.s32 $0x2000;
	s20 =	simm.s32 $0x3580;
	s21 =	simm.s32 $0x3D80  }
0x8: {  	s22 =	simm.s32 $0x0;
	s15 =	sand.u32 $0x1, s1;
	[smem:$0x7FF] =	sst s2  }
0x9: {  	s1 =	stileid.u32;
	s3 =	ssub.s32 $0x2, s15;
	_ =	strace $0x80000047  }
0xa: {  	s7 =	smul.u32 $0x30E, s1;
	p0 =	seq.s32 s1, $0xF;
	s16 =	sshll.u32 s1, $0xA  }
0xb: {  	s17 =	sshll.u32 s1, $0x7;
	s31 =	sshll.u32 s1, $0x4;
	p1 =	seq.s32 s15, $0x0  }
0xc: {  	s15 =	simm.s32 $0x3180;
	p2 =	sgt.u32 s1, $0x7;
	s4 =	sshrl.u32 s3, $0x1  }
0xd: {  	s8 =	simm.s32 @!p0 $0x187;
	s11 =	sand.u32 $0x2000, s16;
	s17 =	sand.u32 $0x380, s17  }
0xe: {  	s13 =	sadd.s32 s13, s31;
	s14 =	ssub.s32 s3, s4;
	s3 =	sadd.s32 s5, s7  }
.Ltmp0:
0xf: {  	s4 =	sadd.s32 s6, s7;
	s5 =	sadd.s32 $0x2DD2, s5;
	(pc) =	sbr.rel .LBB2_1-.Ltmp0, $4  }
0x10: {  	s6 =	sadd.s32 $0x2DD2, s6;
	s7 =	sshll.u32 s8, $0x4;
	s8 =	sshrl.u32 s8, $0x1  }
0x11: {  	s11 =	sadd.s32 s11, s12;
	s12 =	sadd.s32 s16, s12;
	s16 =	simm.s32 $0x80  }
0x12: {  	s9 =	sadd.s32 $0x7F, s7;
	s10 =	sor.u32 $0x1801, s7;
	s11 =	sadd.s32 s17, s11  }
0x13: {  	v0 =	vimm.f32 $0.0e+00;
	vm0 =	vmmov $0x1;
	vm1 =	vcmask $0x3F3C;
	s14 =	smax.u32 s14, $0x1;
	s17 =	simm.s32 $0x400;
	s9 =	sand.u32 $0x186F, s9  }
.LBB2_2:
0x14: {  	[bflag:$0x0] =	sbarrier.arrive $0xFFFF  }
.LBB2_9:
0x15: {  	s22 =	sadd.s32 $0x1, s22  }
0x16: {  	p3 =	sne.s32 s22, s14  }
.Ltmp1:
0x17: {  	_ = 	snop;
	(pc) =	sbr.rel @!p3 .LBB2_10-.Ltmp1, $1  }
0x18: {  	_ =	sdelay $0x3  }
.LBB2_1:
.Ltmp2:
0x19: {  	(pc) =	sbr.rel @!p1 .LBB2_2-.Ltmp2, $1  }
0x1a: {  	_ =	sdelay $0x3  }
0x1b: {  	s23 =	simm.s32 @p0 $0x0;
	s24 =	simm.s32 @p0 $0x1  }
0x1c: {  	[tilespmem:s23], [sflag:$0x1] =	stream.linear.gather @p0 [hbm4b:s5+s23], $0x1810, $0x38;
	[tilespmem:$0x4200] =	vst v63  }
0x1d: {  	_ =	swait.ge @p0 [sflag:s24], $0x1810  }
0x1e: {  	[sflag:s24] =	ssyncset.done @p0 $0x0  }
0x1f: {  	s25 =	simm.s32 @p0 $0x1890;
	[sflag:s24] =	ssyncadd.s32 @p0 $0xFFFFE7F0  }
0x20: {  	[tilespmem:s25], [sflag:$0x1] =	stream.linear.gather @p0 [hbm4b:s6+s23], $0x1810, $0x38;
	[tilespmem:$0x4200] =	vst v63  }
0x21: {  	_ =	swait.ge @p0 [sflag:s24], $0x1810  }
0x22: {  	[sflag:s24] =	ssyncset.done @p0 $0x0  }
0x23: {  	s23 =	simm.s32 @!p0 $0x0;
	[sflag:s24] =	ssyncadd.s32 @p0 $0xFFFFE7F0;
	s24 =	simm.s32 @!p0 $0x1  }
0x24: {  	[tilespmem:s23], [sflag:$0x1] =	stream.linear.gather @!p0 [hbm4b:s3+s23], $0x1870, $0x38;
	[tilespmem:$0x4200] =	vst v63  }
0x25: {  	_ =	swait.ge @!p0 [sflag:s24], $0x1870  }
0x26: {  	[sflag:s24] =	ssyncset.done @!p0 $0x0  }
0x27: {  	s25 =	simm.s32 @!p0 $0x1890;
	[sflag:s24] =	ssyncadd.s32 @!p0 $0xFFFFE790  }
0x28: {  	[tilespmem:s25], [sflag:$0x1] =	stream.linear.gather @!p0 [hbm4b:s4+s23], $0x1870, $0x38;
	[tilespmem:$0x4200] =	vst v63  }
0x29: {  	_ =	swait.ge @!p0 [sflag:s24], $0x1870  }
0x2a: {  	[sflag:s24] =	ssyncset.done @!p0 $0x0  }
0x2b: {  	s23 =	simm.s32 $0x0;
	[sflag:s24] =	ssyncadd.s32 @!p0 $0xFFFFE790  }
.LBB2_4:
0x2c: {  	p3 =	sne.s32 s23, $0xFC0  }
.Ltmp3:
0x2d: {  	_ = 	snop;
	(pc) =	sbr.rel @p3 .LBB2_4-.Ltmp3, $3  }
0x2e: {  	_ =	sdelay $0x1  }
0x2f: {  	s24 =	sshra.s32 s23, $0x2  }
0x30: {  	s23 =	sadd.s32 $0x40, s23;
	[tilespmem:s24+$0x3180] =	vst v0  }
0x31: {  	s23 =	simm.s32 $0x10  }
0x32: {  	v1 =	vld [tilespmem:s23+$0xFFFFFFF0];
	_ =	sdelay $0x2  }
0x33: {  	s24 =	simm.s32 $0x1891  }
0x34: {  	v2 =	vld [tilespmem:s24+$0x0]  }
0x35: {  	v3 =	vld [tilespmem:s24+$0xFFFFFFFF];
	(xrf2) =	vadd.scan.msk.f32 $0xffff, v1  }
0x36: {  	v4 =	vld [tilespmem:s24+$0xFFFFFFFE];
	_ =	sdelay $0x3  }
0x37: {  	vm2 =	vne.s32 v3, v2  }
0x38: {  	vm3 =	vne.s32 v3, v4;
	vm2 =	vmor vm2, vm1  }
0x39: {  	vm3 =	vmor vm3, vm0;
	_ =	sdelay $0x2  }
0x3a: {  	v2, _, _ =	vpop (xrf2)  }
0x3b: {  	v1 =	vsub.f32 v1, v2  }
0x3c: {  	[tilespmem:v3+s15+$0x0] =	vst.idx.add.f32.msk vm2, v2  }
0x3d: {  	[tilespmem:v3+s15+$0x0] =	vst.idx.add.f32.msk vm3, v1  }
0x3e: {  	v2 =	vld [tilespmem:s23+$0x0]  }
0x3f: {  	v3 =	vld [tilespmem:s24+$0x10]  }
0x40: {  	v1 =	vld [tilespmem:s24+$0xF];
	_ =	sdelay $0x3  }
0x41: {  	(xrf2) =	vadd.scan.msk.f32 $0xffff, v2  }
0x42: {  	vm2 =	vne.s32 v1, v3;
	v3 =	vld [tilespmem:s24+$0xE];
	_ =	sdelay $0x3  }
0x43: {  	vm3 =	vmor vm2, vm1  }
0x44: {  	p3 =	sne.s32 s8, $0x1;
	vm2 =	vne.s32 v1, v3  }
.Ltmp4:
0x45: {  	vm2 =	vmor vm2, vm0;
	(pc) =	sbr.rel @!p3 .LBB2_7-.Ltmp4, $3  }
0x46: {  	_ =	sdelay $0x1  }
0x47: {  	v3, _, _ =	vpop (xrf2)  }
0x48: {  	s25 =	sadd.s32 $0xFFFFFFFF, s8;
	[tilespmem:v1+s15+$0x0] =	vst.idx.add.f32.msk vm3, v3;
	v2 =	vsub.f32 v2, v3  }
.LBB2_6:
0x49: {  	_ = 	snop  }
0x4a: {  	p3 =	sne.s32 s25, $0x1;
	s23 =	sadd.s32 $0x20, s23;
	s24 =	sadd.s32 $0x20, s24;
	[tilespmem:v1+s15+$0x0] =	vst.idx.add.f32.msk vm2, v2  }
0x4b: {  	s25 =	sadd.s32 $0xFFFFFFFF, s25;
	v1 =	vld [tilespmem:s23+$0xFFFFFFF0];
	_ =	sdelay $0x3  }
0x4c: {  	v2 =	vld [tilespmem:s24+$0x0]  }
0x4d: {  	v3 =	vld [tilespmem:s24+$0xFFFFFFFF];
	(xrf2) =	vadd.scan.msk.f32 $0xffff, v1  }
0x4e: {  	v4 =	vld [tilespmem:s24+$0xFFFFFFFE];
	_ =	sdelay $0x3  }
0x4f: {  	vm2 =	vne.s32 v3, v2  }
0x50: {  	vm3 =	vne.s32 v3, v4;
	vm2 =	vmor vm2, vm1  }
0x51: {  	vm3 =	vmor vm3, vm0;
	_ =	sdelay $0x2  }
0x52: {  	v2, _, _ =	vpop (xrf2)  }
0x53: {  	v1 =	vsub.f32 v1, v2  }
0x54: {  	[tilespmem:v3+s15+$0x0] =	vst.idx.add.f32.msk vm2, v2  }
0x55: {  	[tilespmem:v3+s15+$0x0] =	vst.idx.add.f32.msk vm3, v1  }
0x56: {  	v2 =	vld [tilespmem:s23+$0x0];
	_ =	sdelay $0x2  }
0x57: {  	v3 =	vld [tilespmem:s24+$0x10]  }
0x58: {  	v1 =	vld [tilespmem:s24+$0xF]  }
0x59: {  	(xrf2) =	vadd.scan.msk.f32 $0xffff, v2  }
0x5a: {  	v4 =	vld [tilespmem:s24+$0xE];
	_ =	sdelay $0x2  }
0x5b: {  	vm2 =	vne.s32 v1, v3  }
0x5c: {  	vm3 =	vmor vm2, vm1  }
0x5d: {  	vm2 =	vne.s32 v1, v4  }
.Ltmp5:
0x5e: {  	vm2 =	vmor vm2, vm0;
	(pc) =	sbr.rel @p3 .LBB2_6-.Ltmp5, $3  }
0x5f: {  	_ =	sdelay $0x1  }
0x60: {  	v3, _, _ =	vpop (xrf2)  }
0x61: {  	[tilespmem:v1+s15+$0x0] =	vst.idx.add.f32.msk vm3, v3;
	v2 =	vsub.f32 v2, v3  }
.LBB2_7:
0x62: {  	_ =	sdelay $0x4  }
0x63: {  	[tilespmem:v1+s15+$0x0] =	vst.idx.add.f32.msk vm2, v2  }
0x64: {  	v1 =	vld [tilespmem:s7+$0xFFFFFFF0];
	_ =	sdelay $0x3  }
0x65: {  	v2 =	vld [tilespmem:s7+$0x1880]  }
0x66: {  	v3 =	vld [tilespmem:s10+$0x1880];
	(xrf2) =	vadd.scan.msk.f32 $0xffff, v1  }
0x67: {  	v4 =	vld [tilespmem:s9+$0x1880];
	_ =	sdelay $0x3  }
0x68: {  	vm2 =	vne.s32 v2, v3  }
0x69: {  	vm3 =	vne.s32 v2, v4;
	vm2 =	vmor vm2, vm1  }
0x6a: {  	vm3 =	vmor vm3, vm0;
	_ =	sdelay $0x2  }
0x6b: {  	v3, _, _ =	vpop (xrf2)  }
0x6c: {  	v1 =	vsub.f32 v1, v3  }
0x6d: {  	[tilespmem:v2+s15+$0x0] =	vst.idx.add.f32.msk vm2, v3  }
0x6e: {  	[tilespmem:v2+s15+$0x0] =	vst.idx.add.f32.msk vm3, v1  }
0x6f: {  	[spmem:s11] =	stream.strided.scatter [tilespmem:s15], [sflag:$0x1], $0x400, s17, s16, $0x38;
	[tilespmem:$0x4200] =	vst v63  }
.Ltmp6:
0x70: {  	_ =	swait.ge [sflag:s18], $0x400;
	(pc) =	sbr.rel @p2 .LBB2_9-.Ltmp6, $3  }
0x71: {  	[sflag:s18] =	ssyncset.done $0x0  }
0x72: {  	[sflag:s18] =	ssyncadd.s32 $0xFFFFFC00  }
0x73: {  	[bflag:$0x0] =	sbarrier.arrive $0xFFFF;
	_ =	sdelay $0x1  }
0x74: {  	[tilespmem:s20], [sflag:$0x1] =	stream.strided.gather [spmem:s12], $0x800, s19, s17, $0x38;
	[tilespmem:$0x4200] =	vst v63  }
0x75: {  	_ =	swait.ge [sflag:s18], $0x800  }
0x76: {  	[sflag:s18] =	ssyncset.done $0x0  }
0x77: {  	[sflag:s18] =	ssyncadd.s32 $0xFFFFF800  }
0x78: {  	v1 =	vld [tilespmem:$0x3580]  }
0x79: {  	v2 =	vld [tilespmem:$0x3600]  }
0x7a: {  	v3 =	vld [tilespmem:$0x3680]  }
0x7b: {  	v5 =	vld [tilespmem:$0x3700]  }
0x7c: {  	v6 =	vld [tilespmem:$0x3780]  }
0x7d: {  	v11 =	vld [tilespmem:$0x3800]  }
0x7e: {  	v12 =	vld [tilespmem:$0x3880]  }
0x7f: {  	v13 =	vld [tilespmem:$0x3900]  }
0x80: {  	v14 =	vld [tilespmem:$0x3980]  }
0x81: {  	v16 =	vld [tilespmem:$0x3A00]  }
0x82: {  	v18 =	vld [tilespmem:$0x3A80]  }
0x83: {  	v32 =	vld [tilespmem:$0x3B00]  }
0x84: {  	v4 =	vld [tilespmem:$0x3B80]  }
0x85: {  	v45 =	vld [tilespmem:$0x3C00]  }
0x86: {  	v46 =	vld [tilespmem:$0x3C80]  }
0x87: {  	v47 =	vld [tilespmem:$0x3D00]  }
0x88: {  	v8 =	vld [tilespmem:$0x3590]  }
0x89: {  	v10 =	vld [tilespmem:$0x3610]  }
0x8a: {  	v19 =	vld [tilespmem:$0x3690]  }
0x8b: {  	v20 =	vld [tilespmem:$0x3710]  }
0x8c: {  	v21 =	vld [tilespmem:$0x3790]  }
0x8d: {  	v22 =	vld [tilespmem:$0x3810]  }
0x8e: {  	v23 =	vld [tilespmem:$0x3890]  }
0x8f: {  	v24 =	vld [tilespmem:$0x3910]  }
0x90: {  	v25 =	vld [tilespmem:$0x3990]  }
0x91: {  	v26 =	vld [tilespmem:$0x3A10]  }
0x92: {  	v27 =	vld [tilespmem:$0x3A90]  }
0x93: {  	v28 =	vld [tilespmem:$0x3B10]  }
0x94: {  	v29 =	vld [tilespmem:$0x3B90]  }
0x95: {  	v31 =	vld [tilespmem:$0x3C10]  }
0x96: {  	v48 =	vld [tilespmem:$0x3C90]  }
0x97: {  	v49 =	vld [tilespmem:$0x3D10]  }
0x98: {  	v33 =	vld [tilespmem:$0x35A0]  }
0x99: {  	v34 =	vld [tilespmem:$0x3620]  }
0x9a: {  	v35 =	vld [tilespmem:$0x36A0]  }
0x9b: {  	v36 =	vld [tilespmem:$0x3720]  }
0x9c: {  	v37 =	vld [tilespmem:$0x37A0]  }
0x9d: {  	v38 =	vld [tilespmem:$0x3820]  }
0x9e: {  	v39 =	vld [tilespmem:$0x38A0]  }
0x9f: {  	v40 =	vld [tilespmem:$0x3920]  }
0xa0: {  	v41 =	vld [tilespmem:$0x39A0]  }
0xa1: {  	v42 =	vld [tilespmem:$0x3A20]  }
0xa2: {  	v43 =	vld [tilespmem:$0x3AA0]  }
0xa3: {  	v44 =	vld [tilespmem:$0x3B20]  }
0xa4: {  	v50 =	vld [tilespmem:$0x3630]  }
0xa5: {  	v51 =	vld [tilespmem:$0x36B0]  }
0xa6: {  	v52 =	vld [tilespmem:$0x3730]  }
0xa7: {  	v53 =	vld [tilespmem:$0x37B0]  }
0xa8: {  	v54 =	vld [tilespmem:$0x3830]  }
0xa9: {  	v55 =	vld [tilespmem:$0x38B0]  }
0xaa: {  	v56 =	vld [tilespmem:$0x3930]  }
0xab: {  	v57 =	vld [tilespmem:$0x39B0]  }
0xac: {  	v58 =	vld [tilespmem:$0x3A30]  }
0xad: {  	v59 =	vld [tilespmem:$0x3AB0]  }
0xae: {  	v60 =	vld [tilespmem:$0x3B30]  }
0xaf: {  	v61 =	vld [tilespmem:$0x3BB0]  }
0xb0: {  	v62 =	vld [tilespmem:$0x3C30]  }
0xb1: {  	v63 =	vld [tilespmem:$0x3CB0]  }
0xb2: {  	v7 =	vld [tilespmem:$0x3D30]  }
0xb3: {  	v9 =	vld [tilespmem:$0x3640]  }
0xb4: {  	v15 =	vld [tilespmem:$0x36C0]  }
0xb5: {  	v17 =	vld [tilespmem:$0x3740]  }
0xb6: {  	v30 =	vld [tilespmem:$0x37C0]  }
0xb7: {  	[tilespmem:$0x1FFB0] =	vst v45;
	v45 =	vld [tilespmem:$0x3BA0]  }
0xb8: {  	[tilespmem:$0x1FFC0] =	vst v46;
	v46 =	vld [tilespmem:$0x3C20]  }
0xb9: {  	[tilespmem:$0x1FFE0] =	vst v47;
	v47 =	vld [tilespmem:$0x3CA0]  }
0xba: {  	[tilespmem:$0x1FFD0] =	vst v48;
	v48 =	vld [tilespmem:$0x3D20];
	v1 =	vadd.f32 $0.0e+00, v1  }
0xbb: {  	[tilespmem:$0x1FFF0] =	vst v49;
	v49 =	vld [tilespmem:$0x35B0];
	v8 =	vadd.f32 $0.0e+00, v8  }
0xbc: {  	[tilespmem:$0x1FFA0] =	vst v4;
	v4 =	vld [tilespmem:$0x35C0];
	v1 =	vadd.f32 v2, v1;
	v2 =	vadd.f32 $0.0e+00, v33  }
0xbd: {  	v33 =	vld [tilespmem:$0x3840];
	v8 =	vadd.f32 v10, v8  }
0xbe: {  	v2 =	vadd.f32 v34, v2;
	v34 =	vld [tilespmem:$0x3940]  }
0xbf: {  	v1 =	vadd.f32 v3, v1;
	v3 =	vadd.f32 v19, v8;
	v19 =	vld [tilespmem:$0x39C0]  }
0xc0: {  	v8 =	vld [tilespmem:$0x3AC0]  }
0xc1: {  	v10 =	vadd.f32 $0.0e+00, v49;
	v49 =	vld [tilespmem:$0x38C0]  }
0xc2: {  	v1 =	vadd.f32 v5, v1;
	v5 =	vld [tilespmem:$0x3BC0]  }
0xc3: {  	v2 =	vadd.f32 v35, v2;
	v35 =	vld [tilespmem:$0x3C50]  }
0xc4: {  	v3 =	vadd.f32 v20, v3;
	v50 =	vadd.f32 v50, v10;
	v10 =	vld [tilespmem:$0x3A40]  }
0xc5: {  	v1 =	vadd.f32 v6, v1;
	v2 =	vadd.f32 v36, v2;
	v6 =	vld [tilespmem:$0x3B40]  }
0xc6: {  	v20 =	vadd.f32 v21, v3;
	v3 =	vld [tilespmem:$0x3C40];
	v50 =	vadd.f32 v51, v50  }
0xc7: {  	v36 =	vld [tilespmem:$0x3D50]  }
0xc8: {  	v51 =	vadd.f32 v52, v50;
	v52 =	vadd.f32 v37, v2;
	v2 =	vld [tilespmem:$0x3CC0]  }
0xc9: {  	v1 =	vadd.f32 v11, v1;
	v50 =	vld [tilespmem:$0x1FFF0]  }
0xca: {  	v4 =	vadd.f32 $0.0e+00, v4;
	v20 =	vadd.f32 v22, v20;
	v37 =	vld [tilespmem:$0x3870]  }
0xcb: {  	v12 =	vadd.f32 v12, v1;
	v1 =	vld [tilespmem:$0x3D40]  }
0xcc: {  	v4 =	vadd.f32 v9, v4;
	v20 =	vadd.f32 v23, v20;
	v23 =	vld [tilespmem:$0x36D0]  }
0xcd: {  	v21 =	vadd.f32 v53, v51;
	v11 =	vadd.f32 v38, v52;
	v51 =	vld [tilespmem:$0x3660]  }
0xce: {  	v4 =	vadd.f32 v15, v4;
	v52 =	vld [tilespmem:$0x3670]  }
0xcf: {  	v12 =	vadd.f32 v13, v12;
	v13 =	vld [tilespmem:$0x3650];
	v11 =	vadd.f32 v39, v11  }
0xd0: {  	v4 =	vadd.f32 v17, v4;
	v20 =	vadd.f32 v24, v20;
	v24 =	vld [tilespmem:$0x37D0]  }
0xd1: {  	v21 =	vadd.f32 v54, v21;
	v54 =	vld [tilespmem:$0x35D0];
	v11 =	vadd.f32 v40, v11  }
0xd2: {  	v4 =	vadd.f32 v30, v4;
	v39 =	vld [tilespmem:$0x38E0]  }
0xd3: {  	v12 =	vadd.f32 v14, v12;
	v14 =	vld [tilespmem:$0x3750];
	v11 =	vadd.f32 v41, v11  }
0xd4: {  	v4 =	vadd.f32 v33, v4;
	v20 =	vadd.f32 v25, v20;
	v25 =	vld [tilespmem:$0x38D0]  }
0xd5: {  	v40 =	vld [tilespmem:$0x38F0];
	v11 =	vadd.f32 v42, v11  }
0xd6: {  	v21 =	vadd.f32 v55, v21;
	v4 =	vadd.f32 v49, v4;
	v49 =	vld [tilespmem:$0x3B60]  }
0xd7: {  	v12 =	vadd.f32 v16, v12;
	v16 =	vld [tilespmem:$0x3850];
	v11 =	vadd.f32 v43, v11  }
0xd8: {  	v20 =	vadd.f32 v26, v20;
	v26 =	vld [tilespmem:$0x39D0];
	v21 =	vadd.f32 v56, v21  }
0xd9: {  	v41 =	vld [tilespmem:$0x1FFA0];
	v4 =	vadd.f32 v34, v4;
	v11 =	vadd.f32 v44, v11  }
0xda: {  	v56 =	vld [tilespmem:$0x36F0];
	v12 =	vadd.f32 v18, v12;
	v20 =	vadd.f32 v27, v20  }
0xdb: {  	v18 =	vld [tilespmem:$0x3950];
	v53 =	vadd.f32 $0.0e+00, v54;
	v11 =	vadd.f32 v45, v11  }
0xdc: {  	v27 =	vld [tilespmem:$0x3A50];
	v21 =	vadd.f32 v57, v21;
	v4 =	vadd.f32 v19, v4  }
0xdd: {  	v54 =	vld [tilespmem:$0x36E0];
	v12 =	vadd.f32 v32, v12;
	v11 =	vadd.f32 v46, v11  }
0xde: {  	v20 =	vadd.f32 v28, v20;
	v21 =	vadd.f32 v58, v21;
	v45 =	vld [tilespmem:$0x35E0]  }
0xdf: {  	v13 =	vadd.f32 v13, v53;
	v11 =	vadd.f32 v47, v11;
	v47 =	vld [tilespmem:$0x35F0]  }
0xe0: {  	v42 =	vld [tilespmem:$0x1FFB0];
	v4 =	vadd.f32 v10, v4;
	v21 =	vadd.f32 v59, v21  }
0xe1: {  	v57 =	vld [tilespmem:$0x3760];
	v12 =	vadd.f32 v41, v12;
	v20 =	vadd.f32 v29, v20  }
0xe2: {  	v28 =	vld [tilespmem:$0x3AD0];
	v13 =	vadd.f32 v23, v13;
	v21 =	vadd.f32 v60, v21  }
0xe3: {  	v32 =	vld [tilespmem:$0x3B50];
	v4 =	vadd.f32 v8, v4;
	v55 =	vadd.f32 $0.0e+00, v45  }
0xe4: {  	v43 =	vld [tilespmem:$0x1FFC0];
	v21 =	vadd.f32 v61, v21;
	v38 =	vadd.f32 $0.0e+00, v47  }
0xe5: {  	v58 =	vld [tilespmem:$0x3770];
	v12 =	vadd.f32 v42, v12;
	v9 =	vadd.f32 v51, v55  }
0xe6: {  	v60 =	vld [tilespmem:$0x37E0];
	v21 =	vadd.f32 v62, v21;
	v59 =	vadd.f32 v52, v38  }
0xe7: {  	v13 =	vadd.f32 v14, v13;
	v61 =	vld [tilespmem:$0x37F0];
	v9 =	vadd.f32 v54, v9  }
0xe8: {  	v21 =	vadd.f32 v63, v21;
	v63 =	vld [tilespmem:$0x3860];
	v62 =	vadd.f32 v56, v59  }
0xe9: {  	v29 =	vld [tilespmem:$0x3BD0];
	v20 =	vadd.f32 v31, v20;
	v9 =	vadd.f32 v57, v9  }
0xea: {  	v44 =	vld [tilespmem:$0x1FFD0];
	v13 =	vadd.f32 v24, v13;
	v14 =	vadd.f32 v58, v62  }
0xeb: {  	v41 =	vld [tilespmem:$0x3960];
	v4 =	vadd.f32 v6, v4;
	v9 =	vadd.f32 v60, v9  }
0xec: {  	v46 =	vld [tilespmem:$0x1FFE0];
	v13 =	vadd.f32 v16, v13;
	v14 =	vadd.f32 v61, v14  }
0xed: {  	v42 =	vld [tilespmem:$0x3970];
	v12 =	vadd.f32 v43, v12;
	v9 =	vadd.f32 v63, v9  }
0xee: {  	v43 =	vld [tilespmem:$0x39E0];
	v13 =	vadd.f32 v25, v13;
	v14 =	vadd.f32 v37, v14  }
0xef: {  	v20 =	vadd.f32 v44, v20;
	v44 =	vld [tilespmem:$0x39F0];
	v9 =	vadd.f32 v39, v9  }
0xf0: {  	v45 =	vld [tilespmem:$0x3A60];
	v13 =	vadd.f32 v18, v13;
	v14 =	vadd.f32 v40, v14  }
0xf1: {  	v12 =	vadd.f32 v46, v12;
	v46 =	vld [tilespmem:$0x3A70];
	v9 =	vadd.f32 v41, v9  }
0xf2: {  	v13 =	vadd.f32 v26, v13;
	v47 =	vld [tilespmem:$0x3AE0];
	v14 =	vadd.f32 v42, v14  }
0xf3: {  	v11 =	vadd.f32 v48, v11;
	v48 =	vld [tilespmem:$0x3AF0];
	v9 =	vadd.f32 v43, v9  }
0xf4: {  	v31 =	vld [tilespmem:$0x3CD0];
	v13 =	vadd.f32 v27, v13;
	v14 =	vadd.f32 v44, v14  }
0xf5: {  	v20 =	vadd.f32 v50, v20;
	v51 =	vld [tilespmem:$0x3B70];
	v50 =	vadd.f32 v45, v9  }
0xf6: {  	v52 =	vld [tilespmem:$0x3BE0];
	v13 =	vadd.f32 v28, v13;
	v14 =	vadd.f32 v46, v14  }
0xf7: {  	v4 =	vadd.f32 v5, v4;
	v54 =	vld [tilespmem:$0x3BF0];
	v53 =	vadd.f32 v47, v50  }
0xf8: {  	v55 =	vld [tilespmem:$0x3C60];
	v13 =	vadd.f32 v32, v13;
	v10 =	vadd.f32 v48, v14  }
0xf9: {  	v3 =	vadd.f32 v3, v4;
	v57 =	vld [tilespmem:$0x3C70];
	v56 =	vadd.f32 v49, v53  }
0xfa: {  	v58 =	vld [tilespmem:$0x3CE0];
	v13 =	vadd.f32 v29, v13;
	v9 =	vadd.f32 v51, v10  }
0xfb: {  	v2 =	vadd.f32 v2, v3;
	v60 =	vld [tilespmem:$0x3CF0];
	v59 =	vadd.f32 v52, v56  }
0xfc: {  	v61 =	vld [tilespmem:$0x3D60];
	v13 =	vadd.f32 v35, v13;
	v8 =	vadd.f32 v54, v9  }
0xfd: {  	[tilespmem:$0x3D90] =	vst v20;
	v7 =	vadd.f32 v7, v21;
	v62 =	vld [tilespmem:$0x3D70];
	v3 =	vadd.f32 v55, v59  }
0xfe: {  	[tilespmem:$0x3DA0] =	vst v11;
	v63 =	vadd.f32 v31, v13;
	v6 =	vadd.f32 v57, v8  }
0xff: {  	v1 =	vadd.f32 v1, v2;
	[tilespmem:$0x3D80] =	vst v12;
	v2 =	vadd.f32 v58, v3  }
0x100: {  	[tilespmem:$0x3DB0] =	vst v7;
	v3 =	vadd.f32 v36, v63;
	v5 =	vadd.f32 v60, v6  }
0x101: {  	[tilespmem:$0x3DC0] =	vst v1;
	v1 =	vadd.f32 v61, v2  }
0x102: {  	[tilespmem:$0x3DD0] =	vst v3;
	v2 =	vadd.f32 v62, v5  }
0x103: {  	[tilespmem:$0x3DE0] =	vst v1  }
.Ltmp7:
0x104: {  	[tilespmem:$0x3DF0] =	vst v2;
	(pc) =	sbr.rel .LBB2_9-.Ltmp7, $4  }
0x105: {  	[hbm4b:s13+s2] =	stream.linear.scatter [tilespmem:s21], [sflag:$0x1], $0x80, $0x38;
	[tilespmem:$0x4200] =	vst v63  }
0x106: {  	_ =	swait.ge [sflag:s18], $0x80  }
0x107: {  	[sflag:s18] =	ssyncset.done $0x0  }
0x108: {  	[sflag:s18] =	ssyncadd.s32 $0xFFFFFF80  }
.LBB2_10:
0x109: {  	_ =	sfence.sel $0x180000  }
0x10a: {  	[bflag:$0x0] =	sbarrier.arrive $0xFFFF  }
0x10b: {  	p0 =	sne.s32 s1, $0x0;
	_ =	strace $0x90000047  }
0x10c: {  	s0 =	sadd.s32 @!p0 $0x100000, s0;
	[bflag:$0x2] =	sbarrier.arrive $0xFFFF  }
0x10d: {  	[sflag:s0] =	ssyncadd.tile.s32 @!p0 $0x1;
	_ =	shalt  }
.Lfunc_end2:
_tile_overlayer_lowered:
.L_overlay_start_2:
0x10e: {  	(tag) =	ssettag $0x2  }
0x10f: {  	s0 =	rddreg [dreg:$0x0];
	s2 =	stileid.u32  }
0x110: {  	s1 =	rddreg [dreg:$0x1];
	p0 =	sne.s32 s2, $0x0  }
0x111: {  	s3 =	rddreg [dreg:$0x2];
	[bflag:$0x3] =	sbarrier.arrive $0xFFFF;
	s2 =	simm.s32 @!p0 $0x1C01  }
0x112: {  	[timem:s3], [sflag:s2] =	dma.local @!p0 [hbm:s0], s1  }
0x113: {  	s0 =	simm.s32 @!p0 $0x1  }
0x114: {  	_ =	swait.ge @!p0 [sflag:s0], s1  }
0x115: {  	s1 =	ssub.s32 @!p0 $0x0, s1;
	[sflag:s0] =	ssyncset.done @!p0 $0x0  }
0x116: {  	[sflag:s0] =	ssyncadd.s32 @!p0 s1  }
0x117: {  	[bflag:$0x3] =	sbarrier.arrive $0xFFFF  }
0x118: {  	_ =	shalt  }

</sc_bundles>
